<compile_context>
chip_gen: v7x
topology: tpu7x:2x2x1
jax: 0.10.2.dev20260603
libtpu: 0.0.44.dev20260713+nightly
codegen_flags: <defaults>
</compile_context>

<pallas_src>
import functools

import jax
import jax.numpy as jnp
from jax import lax
from jax.experimental import pallas as pl
from jax.experimental.pallas import tpu as pltpu
from jax.experimental.pallas import tpu_sc as plsc


LANES = 16
ROWP = 128


@functools.lru_cache(maxsize=None)
def _make_pool(B, S, E, NC, NS):
    NW = NC * NS
    BPW = B // NW
    NJ = 2
    SH = S // NJ
    EC = E // LANES
    mesh = plsc.VectorSubcoreMesh(core_axis_name="c", subcore_axis_name="s")

    @functools.partial(
        pl.kernel,
        out_type=jax.ShapeDtypeStruct((B, E), jnp.float32),
        mesh=mesh,
        scratch_types=[
            pltpu.VMEM((BPW, NJ, SH), jnp.int32),
            pltpu.VMEM((2, S, ROWP), jnp.float32),
            pltpu.VMEM((BPW, E), jnp.float32),
            pltpu.SemaphoreType.DMA,
            pltpu.SemaphoreType.DMA,
        ],
        compiler_params=pltpu.CompilerParams(use_tc_tiling_on_sc=False),
    )
    def pool(table_hbm, idx_hbm, out_hbm, idx_v, buf_v, pool_v, g0, g1):
        wid = lax.axis_index("s") * NC + lax.axis_index("c")
        base = wid * BPW
        gsem = (g0, g1)
        pltpu.sync_copy(idx_hbm.at[pl.ds(base, BPW)], idx_v)

        def fire(i, p):
            for j in range(NJ):
                pltpu.async_copy(
                    table_hbm.at[idx_v.at[i, j]],
                    buf_v.at[p, pl.ds(j * SH, SH)],
                    gsem[p],
                )

        fire(0, 0)

        @pl.loop(0, BPW, step=2)
        def _row(k):
            for p in range(2):
                i = k + p

                @pl.when(i + 1 < BPW)
                def _():
                    fire(i + 1, 1 - p)

                pltpu.make_async_copy(
                    table_hbm.at[pl.ds(0, S)], buf_v.at[p],
                    gsem[p]).wait()

                def body(s, accs):
                    return tuple(
                        accs[c] + buf_v[p, s, pl.ds(c * LANES, LANES)]
                        for c in range(EC)
                    )

                accs = lax.fori_loop(
                    0, S, body,
                    tuple(jnp.zeros((LANES,), jnp.float32)
                          for _ in range(EC)),
                    unroll=8,
                )
                for c in range(EC):
                    pool_v[i, pl.ds(c * LANES, LANES)] = accs[c] * (1.0 / S)

        pltpu.sync_copy(pool_v, out_hbm.at[pl.ds(base, BPW)])

    return pool


def _dense_body(p_ref, w1_ref, b1_ref, w2_ref, b2_ref, o_ref):
    h = jnp.dot(p_ref[...], w1_ref[...], preferred_element_type=jnp.float32)
    h = h + b1_ref[...]
    o = jnp.dot(h, w2_ref[...], preferred_element_type=jnp.float32)
    o = o + b2_ref[...]
    m = jnp.max(o, axis=1, keepdims=True)
    e = jnp.exp(o - m)
    o_ref[...] = e / jnp.sum(e, axis=1, keepdims=True)


def kernel(input, table, W1, b1, W2, b2):
    B, S = input.shape
    V, E = table.shape
    H = W1.shape[0]
    C = W2.shape[0]
    info = plsc.get_sparse_core_info()
    NC, NS = info.num_cores, info.num_subcores
    pool = _make_pool(B, S, E, NC, NS)
    TBLK = 8192
    grid = (V + TBLK - 1) // TBLK

    def _fmt_body(t_ref, o_ref):
        x = t_ref[...]
        xt = jnp.transpose(x, (1, 0))
        o_ref[...] = jnp.pad(xt, ((0, 0), (0, ROWP - E)))

    staged = pl.pallas_call(
        _fmt_body,
        grid=(grid,),
        in_specs=[pl.BlockSpec((E, TBLK), lambda j: (0, j))],
        out_specs=pl.BlockSpec((TBLK, ROWP), lambda j: (j, 0)),
        out_shape=jax.ShapeDtypeStruct((V, ROWP), jnp.float32),
    )(table.T)
    idx = input.reshape(B, 2, S // 2)
    pooled = pool(staged, idx)
    return pl.pallas_call(
        _dense_body,
        out_shape=jax.ShapeDtypeStruct((B, C), jnp.float32),
    )(pooled, W1.T, b1.reshape(1, H), W2.T, b2.reshape(1, C))

# --- scband reference (transcript-rebuilt; emitter-appended) ---
"""Pipeline reference for scband-fast-text-69234872811958 (READ-ONLY COPY).

The authoritative reference and input builder live on the scoring server;
editing this copy changes nothing except your own understanding.
"""

import jax, jax.numpy as jnp
import numpy as np

NTOKEN = 1000000
NCLASS = 100
EMBED = 64
HIDDEN = 128
BATCH = 4096
SEQ = 200


def setup_inputs(seed: int = 0) -> dict:
    key = jax.random.key(seed)
    k_idx, k_tab, k_w1, k_b1, k_w2, k_b2 = jax.random.split(key, 6)
    input = jax.random.randint(k_idx, (BATCH, SEQ), 0, NTOKEN, dtype=jnp.int64 if jax.config.jax_enable_x64 else jnp.int32).astype(jnp.int32)
    table = jax.random.normal(k_tab, (NTOKEN, EMBED), dtype=jnp.float32) * 0.02
    table = table.at[0].set(0.0)  # padding_idx=0
    W1 = jax.random.normal(k_w1, (HIDDEN, EMBED), dtype=jnp.float32) * (1.0 / np.sqrt(EMBED))
    b1 = jax.random.normal(k_b1, (HIDDEN,), dtype=jnp.float32) * 0.01
    W2 = jax.random.normal(k_w2, (NCLASS, HIDDEN), dtype=jnp.float32) * (1.0 / np.sqrt(HIDDEN))
    b2 = jax.random.normal(k_b2, (NCLASS,), dtype=jnp.float32) * 0.01
    return {"input": input, "table": table, "W1": W1, "b1": b1, "W2": W2, "b2": b2}


def reference(input, table, W1, b1, W2, b2):
    # embedding lookup (padding_idx row already zeroed in the table)
    embedded = jnp.take(table, input, axis=0)          # [B, S, E]
    pooled = embedded.mean(axis=1)                      # [B, E]
    hidden = pooled @ W1.T + b1                         # [B, H]
    out = hidden @ W2.T + b2                            # [B, C]
    return jax.nn.softmax(out, axis=1)

if __name__ == "__main__":
    import jax
    _d = setup_inputs()
    print(jax.jit(kernel)(*tuple(_d.values())))

</pallas_src>

<mosaic_0001>
#map = affine_map<(d0, d1) -> (0, 0)>
#map1 = affine_map<(d0, d1) -> (0, 0, 0)>
module attributes {stable_mosaic.version = 14 : i64} {
  func.func @pool(%arg0: i32, %arg1: i32, %arg2: memref<1000000x128xf32, #tpu.memory_space<hbm>>, %arg3: memref<4096x2x100xi32, #tpu.memory_space<hbm>>, %arg4: memref<4096x64xf32, #tpu.memory_space<hbm>>, %arg5: memref<128x2x100xi32, #tpu.memory_space<vmem>>, %arg6: memref<2x200x128xf32, #tpu.memory_space<vmem>>, %arg7: memref<128x64xf32, #tpu.memory_space<vmem>>, %arg8: memref<!tpu.dma_semaphore, #tpu.memory_space<semaphore_mem>>, %arg9: memref<!tpu.dma_semaphore, #tpu.memory_space<semaphore_mem>>) attributes {dimension_semantics = [#tpu.dimension_semantics<core_parallel>, #tpu.dimension_semantics<subcore_parallel>], iteration_bounds = array<i64: 2, 16>, scalar_prefetch = 0 : i64, scratch_operands = 5 : i64, tpu.core_type = #tpu.core_type<sc_vector_subcore>, window_params = [{transform_indices = #map}, {transform_indices = #map1}, {transform_indices = #map}]} {
    %mul3A = arith.constant 2 : i32
    %mul3A_0 = arith.muli %arg1, %mul3A : i32
    %add3A = arith.addi %mul3A_0, %arg0 : i32
    %mul3A_1 = arith.constant 128 : i32
    %mul3A_2 = arith.muli %add3A, %mul3A_1 : i32
    "tpu.region"() ({
      %run_scoped3A = tpu.sem_alloc : memref<!tpu.dma_semaphore, #tpu.memory_space<semaphore_mem>>
      %dma_start3A_32 = arith.constant 0 : i32
      %dma_start3A_33 = arith.constant 0 : i32
      %dma_start3A_34 = tpu.memref_slice %arg3[%mul3A_2, %dma_start3A_32, %dma_start3A_33] : memref<4096x2x100xi32, #tpu.memory_space<hbm>> -> memref<128x2x100xi32, #tpu.memory_space<hbm>>
      %dma_start3A_35 = arith.constant 0 : i32
      %dma_start3A_36 = arith.constant 0 : i32
      %dma_start3A_37 = tpu.memref_slice %arg3[%mul3A_2, %dma_start3A_35, %dma_start3A_36] : memref<4096x2x100xi32, #tpu.memory_space<hbm>> -> memref<128x2x100xi32, #tpu.memory_space<hbm>>
      tpu.enqueue_dma source(%dma_start3A_37 : memref<128x2x100xi32, #tpu.memory_space<hbm>>) target(%arg5 : memref<128x2x100xi32, #tpu.memory_space<vmem>>) target_semaphore(%run_scoped3A : memref<!tpu.dma_semaphore, #tpu.memory_space<semaphore_mem>>)
      %dma_wait3A = arith.constant 0 : i32
      %dma_wait3A_38 = arith.constant 0 : i32
      %dma_wait3A_39 = tpu.memref_slice %arg3[%mul3A_2, %dma_wait3A, %dma_wait3A_38] : memref<4096x2x100xi32, #tpu.memory_space<hbm>> -> memref<128x2x100xi32, #tpu.memory_space<hbm>>
      %dma_wait3A_40 = arith.constant 0 : i32
      %dma_wait3A_41 = arith.constant 0 : i32
      %dma_wait3A_42 = tpu.memref_slice %arg3[%mul3A_2, %dma_wait3A_40, %dma_wait3A_41] : memref<4096x2x100xi32, #tpu.memory_space<hbm>> -> memref<128x2x100xi32, #tpu.memory_space<hbm>>
      tpu.wait_dma2 semaphore(%run_scoped3A : memref<!tpu.dma_semaphore, #tpu.memory_space<semaphore_mem>>) src(%dma_wait3A_42 : memref<128x2x100xi32, #tpu.memory_space<hbm>>) dst(%arg5 : memref<128x2x100xi32, #tpu.memory_space<vmem>>)
      tpu.yield
    }) : () -> ()
    %dma_start3A = arith.constant 0 : i32
    %dma_start3A_3 = arith.constant 0 : i32
    %dma_start3A_4 = arith.constant 0 : i32
    %dma_start3A_5 = arith.constant 0 : i32
    %dma_start3A_6 = arith.constant 0 : i32
    %dma_start3A_7 = tpu.memref_slice %arg6[%dma_start3A_4, %dma_start3A_5, %dma_start3A_6] : memref<2x200x128xf32, #tpu.memory_space<vmem>> -> memref<1x100x128xf32, #tpu.memory_space<vmem>>
    %dma_start3A_8 = tpu.memref_squeeze %dma_start3A_7 : memref<1x100x128xf32, #tpu.memory_space<vmem>> -> memref<100x128xf32, #tpu.memory_space<vmem>>
    %dma_start3A_9 = arith.constant 0 : i32
    %dma_start3A_10 = tpu.memref_slice %arg5[%dma_start3A, %dma_start3A_3, %dma_start3A_9] : memref<128x2x100xi32, #tpu.memory_space<vmem>> -> memref<1x1x100xi32, #tpu.memory_space<vmem>>
    %dma_start3A_11 = tpu.memref_squeeze %dma_start3A_10 : memref<1x1x100xi32, #tpu.memory_space<vmem>> -> memref<100xi32, #tpu.memory_space<vmem>>
    %dma_start3A_12 = arith.constant 0 : i32
    %dma_start3A_13 = arith.constant 0 : i32
    %dma_start3A_14 = tpu.memref_slice %arg2[%dma_start3A_12, %dma_start3A_13] : memref<1000000x128xf32, #tpu.memory_space<hbm>> -> memref<1000000x128xf32, #tpu.memory_space<hbm>>
    tpu.enqueue_indirect_dma source(%dma_start3A_14 : memref<1000000x128xf32, #tpu.memory_space<hbm>>) target(%dma_start3A_8 : memref<100x128xf32, #tpu.memory_space<vmem>>) offsets(%dma_start3A_11 : memref<100xi32, #tpu.memory_space<vmem>>) semaphore(%arg8 : memref<!tpu.dma_semaphore, #tpu.memory_space<semaphore_mem>>)
    %dma_start3A_15 = arith.constant 0 : i32
    %dma_start3A_16 = arith.constant 1 : i32
    %dma_start3A_17 = arith.constant 0 : i32
    %dma_start3A_18 = arith.constant 100 : i32
    %dma_start3A_19 = arith.constant 0 : i32
    %dma_start3A_20 = tpu.memref_slice %arg6[%dma_start3A_17, %dma_start3A_18, %dma_start3A_19] : memref<2x200x128xf32, #tpu.memory_space<vmem>> -> memref<1x100x128xf32, #tpu.memory_space<vmem>>
    %dma_start3A_21 = tpu.memref_squeeze %dma_start3A_20 : memref<1x100x128xf32, #tpu.memory_space<vmem>> -> memref<100x128xf32, #tpu.memory_space<vmem>>
    %dma_start3A_22 = arith.constant 0 : i32
    %dma_start3A_23 = tpu.memref_slice %arg5[%dma_start3A_15, %dma_start3A_16, %dma_start3A_22] : memref<128x2x100xi32, #tpu.memory_space<vmem>> -> memref<1x1x100xi32, #tpu.memory_space<vmem>>
    %dma_start3A_24 = tpu.memref_squeeze %dma_start3A_23 : memref<1x1x100xi32, #tpu.memory_space<vmem>> -> memref<100xi32, #tpu.memory_space<vmem>>
    %dma_start3A_25 = arith.constant 0 : i32
    %dma_start3A_26 = arith.constant 0 : i32
    %dma_start3A_27 = tpu.memref_slice %arg2[%dma_start3A_25, %dma_start3A_26] : memref<1000000x128xf32, #tpu.memory_space<hbm>> -> memref<1000000x128xf32, #tpu.memory_space<hbm>>
    tpu.enqueue_indirect_dma source(%dma_start3A_27 : memref<1000000x128xf32, #tpu.memory_space<hbm>>) target(%dma_start3A_21 : memref<100x128xf32, #tpu.memory_space<vmem>>) offsets(%dma_start3A_24 : memref<100xi32, #tpu.memory_space<vmem>>) semaphore(%arg8 : memref<!tpu.dma_semaphore, #tpu.memory_space<semaphore_mem>>)
    %scan3A = arith.constant 0 : i32
    %scan3A_28 = arith.constant 64 : i32
    %scan3A_29 = arith.addi %scan3A, %scan3A_28 : i32
    %scan3A_30 = arith.constant 1 : i32
    scf.for %scan3A_32 = %scan3A to %scan3A_29 step %scan3A_30  : i32 {
      %mul3A_33 = arith.constant 2 : i32
      %mul3A_34 = arith.muli %scan3A_32, %mul3A_33 : i32
      %add3A_35 = arith.constant 0 : i32
      %add3A_36 = arith.addi %add3A_35, %mul3A_34 : i32
      %add3A_37 = arith.constant 0 : i32
      %add3A_38 = arith.addi %add3A_36, %add3A_37 : i32
      %add3A_39 = arith.constant 1 : i32
      %add3A_40 = arith.addi %add3A_38, %add3A_39 : i32
      %lt3A = arith.constant 128 : i32
      %lt3A_41 = arith.cmpi slt, %add3A_40, %lt3A : i32
      %convert_element_type3A = arith.extui %lt3A_41 : i1 to i32
      %cond3A = arith.constant 0 : i32
      %cond3A_42 = arith.cmpi ne, %convert_element_type3A, %cond3A : i32
      scf.if %cond3A_42 {
        %add3A_171 = arith.constant 1 : i32
        %add3A_172 = arith.addi %add3A_38, %add3A_171 : i32
        %dma_start3A_173 = arith.constant 0 : i32
        %dma_start3A_174 = arith.constant 1 : i32
        %dma_start3A_175 = arith.constant 0 : i32
        %dma_start3A_176 = arith.constant 0 : i32
        %dma_start3A_177 = tpu.memref_slice %arg6[%dma_start3A_174, %dma_start3A_175, %dma_start3A_176] : memref<2x200x128xf32, #tpu.memory_space<vmem>> -> memref<1x100x128xf32, #tpu.memory_space<vmem>>
        %dma_start3A_178 = tpu.memref_squeeze %dma_start3A_177 : memref<1x100x128xf32, #tpu.memory_space<vmem>> -> memref<100x128xf32, #tpu.memory_space<vmem>>
        %dma_start3A_179 = arith.constant 0 : i32
        %dma_start3A_180 = tpu.memref_slice %arg5[%add3A_172, %dma_start3A_173, %dma_start3A_179] : memref<128x2x100xi32, #tpu.memory_space<vmem>> -> memref<1x1x100xi32, #tpu.memory_space<vmem>>
        %dma_start3A_181 = tpu.memref_squeeze %dma_start3A_180 : memref<1x1x100xi32, #tpu.memory_space<vmem>> -> memref<100xi32, #tpu.memory_space<vmem>>
        %dma_start3A_182 = arith.constant 0 : i32
        %dma_start3A_183 = arith.constant 0 : i32
        %dma_start3A_184 = tpu.memref_slice %arg2[%dma_start3A_182, %dma_start3A_183] : memref<1000000x128xf32, #tpu.memory_space<hbm>> -> memref<1000000x128xf32, #tpu.memory_space<hbm>>
        tpu.enqueue_indirect_dma source(%dma_start3A_184 : memref<1000000x128xf32, #tpu.memory_space<hbm>>) target(%dma_start3A_178 : memref<100x128xf32, #tpu.memory_space<vmem>>) offsets(%dma_start3A_181 : memref<100xi32, #tpu.memory_space<vmem>>) semaphore(%arg9 : memref<!tpu.dma_semaphore, #tpu.memory_space<semaphore_mem>>)
        %dma_start3A_185 = arith.constant 1 : i32
        %dma_start3A_186 = arith.constant 1 : i32
        %dma_start3A_187 = arith.constant 100 : i32
        %dma_start3A_188 = arith.constant 0 : i32
        %dma_start3A_189 = tpu.memref_slice %arg6[%dma_start3A_186, %dma_start3A_187, %dma_start3A_188] : memref<2x200x128xf32, #tpu.memory_space<vmem>> -> memref<1x100x128xf32, #tpu.memory_space<vmem>>
        %dma_start3A_190 = tpu.memref_squeeze %dma_start3A_189 : memref<1x100x128xf32, #tpu.memory_space<vmem>> -> memref<100x128xf32, #tpu.memory_space<vmem>>
        %dma_start3A_191 = arith.constant 0 : i32
        %dma_start3A_192 = tpu.memref_slice %arg5[%add3A_172, %dma_start3A_185, %dma_start3A_191] : memref<128x2x100xi32, #tpu.memory_space<vmem>> -> memref<1x1x100xi32, #tpu.memory_space<vmem>>
        %dma_start3A_193 = tpu.memref_squeeze %dma_start3A_192 : memref<1x1x100xi32, #tpu.memory_space<vmem>> -> memref<100xi32, #tpu.memory_space<vmem>>
        %dma_start3A_194 = arith.constant 0 : i32
        %dma_start3A_195 = arith.constant 0 : i32
        %dma_start3A_196 = tpu.memref_slice %arg2[%dma_start3A_194, %dma_start3A_195] : memref<1000000x128xf32, #tpu.memory_space<hbm>> -> memref<1000000x128xf32, #tpu.memory_space<hbm>>
        tpu.enqueue_indirect_dma source(%dma_start3A_196 : memref<1000000x128xf32, #tpu.memory_space<hbm>>) target(%dma_start3A_190 : memref<100x128xf32, #tpu.memory_space<vmem>>) offsets(%dma_start3A_193 : memref<100xi32, #tpu.memory_space<vmem>>) semaphore(%arg9 : memref<!tpu.dma_semaphore, #tpu.memory_space<semaphore_mem>>)
      } else {
      }
      %dma_wait3A = arith.constant 0 : i32
      %dma_wait3A_43 = arith.constant 0 : i32
      %dma_wait3A_44 = arith.constant 0 : i32
      %dma_wait3A_45 = tpu.memref_slice %arg6[%dma_wait3A, %dma_wait3A_43, %dma_wait3A_44] : memref<2x200x128xf32, #tpu.memory_space<vmem>> -> memref<1x200x128xf32, #tpu.memory_space<vmem>>
      %dma_wait3A_46 = tpu.memref_squeeze %dma_wait3A_45 : memref<1x200x128xf32, #tpu.memory_space<vmem>> -> memref<200x128xf32, #tpu.memory_space<vmem>>
      %dma_wait3A_47 = arith.constant 0 : i32
      %dma_wait3A_48 = arith.constant 0 : i32
      %dma_wait3A_49 = tpu.memref_slice %arg2[%dma_wait3A_47, %dma_wait3A_48] : memref<1000000x128xf32, #tpu.memory_space<hbm>> -> memref<200x128xf32, #tpu.memory_space<hbm>>
      %dma_wait3A_50 = arith.constant 0 : i32
      %dma_wait3A_51 = arith.constant 0 : i32
      %dma_wait3A_52 = tpu.memref_slice %arg6[%dma_wait3A, %dma_wait3A_50, %dma_wait3A_51] : memref<2x200x128xf32, #tpu.memory_space<vmem>> -> memref<1x200x128xf32, #tpu.memory_space<vmem>>
      %dma_wait3A_53 = tpu.memref_squeeze %dma_wait3A_52 : memref<1x200x128xf32, #tpu.memory_space<vmem>> -> memref<200x128xf32, #tpu.memory_space<vmem>>
      %dma_wait3A_54 = arith.constant 0 : i32
      %dma_wait3A_55 = arith.constant 0 : i32
      %dma_wait3A_56 = tpu.memref_slice %arg2[%dma_wait3A_54, %dma_wait3A_55] : memref<1000000x128xf32, #tpu.memory_space<hbm>> -> memref<200x128xf32, #tpu.memory_space<hbm>>
      tpu.wait_dma2 semaphore(%arg8 : memref<!tpu.dma_semaphore, #tpu.memory_space<semaphore_mem>>) src(%dma_wait3A_56 : memref<200x128xf32, #tpu.memory_space<hbm>>) dst(%dma_wait3A_53 : memref<200x128xf32, #tpu.memory_space<vmem>>)
      %broadcast_in_dim3A = arith.constant 0.000000e+00 : f32
      %broadcast_in_dim3A_57 = vector.broadcast %broadcast_in_dim3A : f32 to vector<16xf32>
      %broadcast_in_dim3A_58 = arith.constant 0.000000e+00 : f32
      %broadcast_in_dim3A_59 = vector.broadcast %broadcast_in_dim3A_58 : f32 to vector<16xf32>
      %broadcast_in_dim3A_60 = arith.constant 0.000000e+00 : f32
      %broadcast_in_dim3A_61 = vector.broadcast %broadcast_in_dim3A_60 : f32 to vector<16xf32>
      %broadcast_in_dim3A_62 = arith.constant 0.000000e+00 : f32
      %broadcast_in_dim3A_63 = vector.broadcast %broadcast_in_dim3A_62 : f32 to vector<16xf32>
      %scan3A_64 = arith.constant 0 : i32
      %scan3A_65 = arith.constant 200 : i32
      %scan3A_66 = arith.addi %scan3A_64, %scan3A_65 : i32
      %scan3A_67 = arith.constant 8 : i32
      %scan3A_68:4 = scf.for %scan3A_171 = %scan3A_64 to %scan3A_66 step %scan3A_67 iter_args(%scan3A_172 = %broadcast_in_dim3A_57, %scan3A_173 = %broadcast_in_dim3A_59, %scan3A_174 = %broadcast_in_dim3A_61, %scan3A_175 = %broadcast_in_dim3A_63) -> (vector<16xf32>, vector<16xf32>, vector<16xf32>, vector<16xf32>)  : i32 {
        %get3A = arith.constant 0 : i32
        %get3A_176 = arith.index_cast %get3A : i32 to index
        %get3A_177 = arith.index_cast %scan3A_171 : i32 to index
        %get3A_178 = arith.constant 0 : index
        %get3A_179 = tpu.vector_load %arg6[%get3A_176, %get3A_177, %get3A_178] {strides = array<i32>} : memref<2x200x128xf32, #tpu.memory_space<vmem>>, vector<1x1x16xf32>,
        %get3A_180 = vector.shape_cast %get3A_179 : vector<1x1x16xf32> to vector<16xf32>
        %add3A_181 = arith.addf %scan3A_172, %get3A_180 : vector<16xf32>
        %get3A_182 = arith.constant 0 : i32
        %get3A_183 = arith.index_cast %get3A_182 : i32 to index
        %get3A_184 = arith.index_cast %scan3A_171 : i32 to index
        %get3A_185 = arith.constant 16 : index
        %get3A_186 = tpu.vector_load %arg6[%get3A_183, %get3A_184, %get3A_185] {strides = array<i32>} : memref<2x200x128xf32, #tpu.memory_space<vmem>>, vector<1x1x16xf32>,
        %get3A_187 = vector.shape_cast %get3A_186 : vector<1x1x16xf32> to vector<16xf32>
        %add3A_188 = arith.addf %scan3A_173, %get3A_187 : vector<16xf32>
        %get3A_189 = arith.constant 0 : i32
        %get3A_190 = arith.index_cast %get3A_189 : i32 to index
        %get3A_191 = arith.index_cast %scan3A_171 : i32 to index
        %get3A_192 = arith.constant 32 : index
        %get3A_193 = tpu.vector_load %arg6[%get3A_190, %get3A_191, %get3A_192] {strides = array<i32>} : memref<2x200x128xf32, #tpu.memory_space<vmem>>, vector<1x1x16xf32>,
        %get3A_194 = vector.shape_cast %get3A_193 : vector<1x1x16xf32> to vector<16xf32>
        %add3A_195 = arith.addf %scan3A_174, %get3A_194 : vector<16xf32>
        %get3A_196 = arith.constant 0 : i32
        %get3A_197 = arith.index_cast %get3A_196 : i32 to index
        %get3A_198 = arith.index_cast %scan3A_171 : i32 to index
        %get3A_199 = arith.constant 48 : index
        %get3A_200 = tpu.vector_load %arg6[%get3A_197, %get3A_198, %get3A_199] {strides = array<i32>} : memref<2x200x128xf32, #tpu.memory_space<vmem>>, vector<1x1x16xf32>,
        %get3A_201 = vector.shape_cast %get3A_200 : vector<1x1x16xf32> to vector<16xf32>
        %add3A_202 = arith.addf %scan3A_175, %get3A_201 : vector<16xf32>
        %scan3A_203 = arith.constant 1 : i32
        %scan3A_204 = arith.addi %scan3A_171, %scan3A_203 : i32
        %get3A_205 = arith.constant 0 : i32
        %get3A_206 = arith.index_cast %get3A_205 : i32 to index
        %get3A_207 = arith.index_cast %scan3A_204 : i32 to index
        %get3A_208 = arith.constant 0 : index
        %get3A_209 = tpu.vector_load %arg6[%get3A_206, %get3A_207, %get3A_208] {strides = array<i32>} : memref<2x200x128xf32, #tpu.memory_space<vmem>>, vector<1x1x16xf32>,
        %get3A_210 = vector.shape_cast %get3A_209 : vector<1x1x16xf32> to vector<16xf32>
        %add3A_211 = arith.addf %add3A_181, %get3A_210 : vector<16xf32>
        %get3A_212 = arith.constant 0 : i32
        %get3A_213 = arith.index_cast %get3A_212 : i32 to index
        %get3A_214 = arith.index_cast %scan3A_204 : i32 to index
        %get3A_215 = arith.constant 16 : index
        %get3A_216 = tpu.vector_load %arg6[%get3A_213, %get3A_214, %get3A_215] {strides = array<i32>} : memref<2x200x128xf32, #tpu.memory_space<vmem>>, vector<1x1x16xf32>,
        %get3A_217 = vector.shape_cast %get3A_216 : vector<1x1x16xf32> to vector<16xf32>
        %add3A_218 = arith.addf %add3A_188, %get3A_217 : vector<16xf32>
        %get3A_219 = arith.constant 0 : i32
        %get3A_220 = arith.index_cast %get3A_219 : i32 to index
        %get3A_221 = arith.index_cast %scan3A_204 : i32 to index
        %get3A_222 = arith.constant 32 : index
        %get3A_223 = tpu.vector_load %arg6[%get3A_220, %get3A_221, %get3A_222] {strides = array<i32>} : memref<2x200x128xf32, #tpu.memory_space<vmem>>, vector<1x1x16xf32>,
        %get3A_224 = vector.shape_cast %get3A_223 : vector<1x1x16xf32> to vector<16xf32>
        %add3A_225 = arith.addf %add3A_195, %get3A_224 : vector<16xf32>
        %get3A_226 = arith.constant 0 : i32
        %get3A_227 = arith.index_cast %get3A_226 : i32 to index
        %get3A_228 = arith.index_cast %scan3A_204 : i32 to index
        %get3A_229 = arith.constant 48 : index
        %get3A_230 = tpu.vector_load %arg6[%get3A_227, %get3A_228, %get3A_229] {strides = array<i32>} : memref<2x200x128xf32, #tpu.memory_space<vmem>>, vector<1x1x16xf32>,
        %get3A_231 = vector.shape_cast %get3A_230 : vector<1x1x16xf32> to vector<16xf32>
        %add3A_232 = arith.addf %add3A_202, %get3A_231 : vector<16xf32>
        %scan3A_233 = arith.constant 2 : i32
        %scan3A_234 = arith.addi %scan3A_171, %scan3A_233 : i32
        %get3A_235 = arith.constant 0 : i32
        %get3A_236 = arith.index_cast %get3A_235 : i32 to index
        %get3A_237 = arith.index_cast %scan3A_234 : i32 to index
        %get3A_238 = arith.constant 0 : index
        %get3A_239 = tpu.vector_load %arg6[%get3A_236, %get3A_237, %get3A_238] {strides = array<i32>} : memref<2x200x128xf32, #tpu.memory_space<vmem>>, vector<1x1x16xf32>,
        %get3A_240 = vector.shape_cast %get3A_239 : vector<1x1x16xf32> to vector<16xf32>
        %add3A_241 = arith.addf %add3A_211, %get3A_240 : vector<16xf32>
        %get3A_242 = arith.constant 0 : i32
        %get3A_243 = arith.index_cast %get3A_242 : i32 to index
        %get3A_244 = arith.index_cast %scan3A_234 : i32 to index
        %get3A_245 = arith.constant 16 : index
        %get3A_246 = tpu.vector_load %arg6[%get3A_243, %get3A_244, %get3A_245] {strides = array<i32>} : memref<2x200x128xf32, #tpu.memory_space<vmem>>, vector<1x1x16xf32>,
        %get3A_247 = vector.shape_cast %get3A_246 : vector<1x1x16xf32> to vector<16xf32>
        %add3A_248 = arith.addf %add3A_218, %get3A_247 : vector<16xf32>
        %get3A_249 = arith.constant 0 : i32
        %get3A_250 = arith.index_cast %get3A_249 : i32 to index
        %get3A_251 = arith.index_cast %scan3A_234 : i32 to index
        %get3A_252 = arith.constant 32 : index
        %get3A_253 = tpu.vector_load %arg6[%get3A_250, %get3A_251, %get3A_252] {strides = array<i32>} : memref<2x200x128xf32, #tpu.memory_space<vmem>>, vector<1x1x16xf32>,
        %get3A_254 = vector.shape_cast %get3A_253 : vector<1x1x16xf32> to vector<16xf32>
        %add3A_255 = arith.addf %add3A_225, %get3A_254 : vector<16xf32>
        %get3A_256 = arith.constant 0 : i32
        %get3A_257 = arith.index_cast %get3A_256 : i32 to index
        %get3A_258 = arith.index_cast %scan3A_234 : i32 to index
        %get3A_259 = arith.constant 48 : index
        %get3A_260 = tpu.vector_load %arg6[%get3A_257, %get3A_258, %get3A_259] {strides = array<i32>} : memref<2x200x128xf32, #tpu.memory_space<vmem>>, vector<1x1x16xf32>,
        %get3A_261 = vector.shape_cast %get3A_260 : vector<1x1x16xf32> to vector<16xf32>
        %add3A_262 = arith.addf %add3A_232, %get3A_261 : vector<16xf32>
        %scan3A_263 = arith.constant 3 : i32
        %scan3A_264 = arith.addi %scan3A_171, %scan3A_263 : i32
        %get3A_265 = arith.constant 0 : i32
        %get3A_266 = arith.index_cast %get3A_265 : i32 to index
        %get3A_267 = arith.index_cast %scan3A_264 : i32 to index
        %get3A_268 = arith.constant 0 : index
        %get3A_269 = tpu.vector_load %arg6[%get3A_266, %get3A_267, %get3A_268] {strides = array<i32>} : memref<2x200x128xf32, #tpu.memory_space<vmem>>, vector<1x1x16xf32>,
        %get3A_270 = vector.shape_cast %get3A_269 : vector<1x1x16xf32> to vector<16xf32>
        %add3A_271 = arith.addf %add3A_241, %get3A_270 : vector<16xf32>
        %get3A_272 = arith.constant 0 : i32
        %get3A_273 = arith.index_cast %get3A_272 : i32 to index
        %get3A_274 = arith.index_cast %scan3A_264 : i32 to index
        %get3A_275 = arith.constant 16 : index
        %get3A_276 = tpu.vector_load %arg6[%get3A_273, %get3A_274, %get3A_275] {strides = array<i32>} : memref<2x200x128xf32, #tpu.memory_space<vmem>>, vector<1x1x16xf32>,
        %get3A_277 = vector.shape_cast %get3A_276 : vector<1x1x16xf32> to vector<16xf32>
        %add3A_278 = arith.addf %add3A_248, %get3A_277 : vector<16xf32>
        %get3A_279 = arith.constant 0 : i32
        %get3A_280 = arith.index_cast %get3A_279 : i32 to index
        %get3A_281 = arith.index_cast %scan3A_264 : i32 to index
        %get3A_282 = arith.constant 32 : index
        %get3A_283 = tpu.vector_load %arg6[%get3A_280, %get3A_281, %get3A_282] {strides = array<i32>} : memref<2x200x128xf32, #tpu.memory_space<vmem>>, vector<1x1x16xf32>,
        %get3A_284 = vector.shape_cast %get3A_283 : vector<1x1x16xf32> to vector<16xf32>
        %add3A_285 = arith.addf %add3A_255, %get3A_284 : vector<16xf32>
        %get3A_286 = arith.constant 0 : i32
        %get3A_287 = arith.index_cast %get3A_286 : i32 to index
        %get3A_288 = arith.index_cast %scan3A_264 : i32 to index
        %get3A_289 = arith.constant 48 : index
        %get3A_290 = tpu.vector_load %arg6[%get3A_287, %get3A_288, %get3A_289] {strides = array<i32>} : memref<2x200x128xf32, #tpu.memory_space<vmem>>, vector<1x1x16xf32>,
        %get3A_291 = vector.shape_cast %get3A_290 : vector<1x1x16xf32> to vector<16xf32>
        %add3A_292 = arith.addf %add3A_262, %get3A_291 : vector<16xf32>
        %scan3A_293 = arith.constant 4 : i32
        %scan3A_294 = arith.addi %scan3A_171, %scan3A_293 : i32
        %get3A_295 = arith.constant 0 : i32
        %get3A_296 = arith.index_cast %get3A_295 : i32 to index
        %get3A_297 = arith.index_cast %scan3A_294 : i32 to index
        %get3A_298 = arith.constant 0 : index
        %get3A_299 = tpu.vector_load %arg6[%get3A_296, %get3A_297, %get3A_298] {strides = array<i32>} : memref<2x200x128xf32, #tpu.memory_space<vmem>>, vector<1x1x16xf32>,
        %get3A_300 = vector.shape_cast %get3A_299 : vector<1x1x16xf32> to vector<16xf32>
        %add3A_301 = arith.addf %add3A_271, %get3A_300 : vector<16xf32>
        %get3A_302 = arith.constant 0 : i32
        %get3A_303 = arith.index_cast %get3A_302 : i32 to index
        %get3A_304 = arith.index_cast %scan3A_294 : i32 to index
        %get3A_305 = arith.constant 16 : index
        %get3A_306 = tpu.vector_load %arg6[%get3A_303, %get3A_304, %get3A_305] {strides = array<i32>} : memref<2x200x128xf32, #tpu.memory_space<vmem>>, vector<1x1x16xf32>,
        %get3A_307 = vector.shape_cast %get3A_306 : vector<1x1x16xf32> to vector<16xf32>
        %add3A_308 = arith.addf %add3A_278, %get3A_307 : vector<16xf32>
        %get3A_309 = arith.constant 0 : i32
        %get3A_310 = arith.index_cast %get3A_309 : i32 to index
        %get3A_311 = arith.index_cast %scan3A_294 : i32 to index
        %get3A_312 = arith.constant 32 : index
        %get3A_313 = tpu.vector_load %arg6[%get3A_310, %get3A_311, %get3A_312] {strides = array<i32>} : memref<2x200x128xf32, #tpu.memory_space<vmem>>, vector<1x1x16xf32>,
        %get3A_314 = vector.shape_cast %get3A_313 : vector<1x1x16xf32> to vector<16xf32>
        %add3A_315 = arith.addf %add3A_285, %get3A_314 : vector<16xf32>
        %get3A_316 = arith.constant 0 : i32
        %get3A_317 = arith.index_cast %get3A_316 : i32 to index
        %get3A_318 = arith.index_cast %scan3A_294 : i32 to index
        %get3A_319 = arith.constant 48 : index
        %get3A_320 = tpu.vector_load %arg6[%get3A_317, %get3A_318, %get3A_319] {strides = array<i32>} : memref<2x200x128xf32, #tpu.memory_space<vmem>>, vector<1x1x16xf32>,
        %get3A_321 = vector.shape_cast %get3A_320 : vector<1x1x16xf32> to vector<16xf32>
        %add3A_322 = arith.addf %add3A_292, %get3A_321 : vector<16xf32>
        %scan3A_323 = arith.constant 5 : i32
        %scan3A_324 = arith.addi %scan3A_171, %scan3A_323 : i32
        %get3A_325 = arith.constant 0 : i32
        %get3A_326 = arith.index_cast %get3A_325 : i32 to index
        %get3A_327 = arith.index_cast %scan3A_324 : i32 to index
        %get3A_328 = arith.constant 0 : index
        %get3A_329 = tpu.vector_load %arg6[%get3A_326, %get3A_327, %get3A_328] {strides = array<i32>} : memref<2x200x128xf32, #tpu.memory_space<vmem>>, vector<1x1x16xf32>,
        %get3A_330 = vector.shape_cast %get3A_329 : vector<1x1x16xf32> to vector<16xf32>
        %add3A_331 = arith.addf %add3A_301, %get3A_330 : vector<16xf32>
        %get3A_332 = arith.constant 0 : i32
        %get3A_333 = arith.index_cast %get3A_332 : i32 to index
        %get3A_334 = arith.index_cast %scan3A_324 : i32 to index
        %get3A_335 = arith.constant 16 : index
        %get3A_336 = tpu.vector_load %arg6[%get3A_333, %get3A_334, %get3A_335] {strides = array<i32>} : memref<2x200x128xf32, #tpu.memory_space<vmem>>, vector<1x1x16xf32>,
        %get3A_337 = vector.shape_cast %get3A_336 : vector<1x1x16xf32> to vector<16xf32>
        %add3A_338 = arith.addf %add3A_308, %get3A_337 : vector<16xf32>
        %get3A_339 = arith.constant 0 : i32
        %get3A_340 = arith.index_cast %get3A_339 : i32 to index
        %get3A_341 = arith.index_cast %scan3A_324 : i32 to index
        %get3A_342 = arith.constant 32 : index
        %get3A_343 = tpu.vector_load %arg6[%get3A_340, %get3A_341, %get3A_342] {strides = array<i32>} : memref<2x200x128xf32, #tpu.memory_space<vmem>>, vector<1x1x16xf32>,
        %get3A_344 = vector.shape_cast %get3A_343 : vector<1x1x16xf32> to vector<16xf32>
        %add3A_345 = arith.addf %add3A_315, %get3A_344 : vector<16xf32>
        %get3A_346 = arith.constant 0 : i32
        %get3A_347 = arith.index_cast %get3A_346 : i32 to index
        %get3A_348 = arith.index_cast %scan3A_324 : i32 to index
        %get3A_349 = arith.constant 48 : index
        %get3A_350 = tpu.vector_load %arg6[%get3A_347, %get3A_348, %get3A_349] {strides = array<i32>} : memref<2x200x128xf32, #tpu.memory_space<vmem>>, vector<1x1x16xf32>,
        %get3A_351 = vector.shape_cast %get3A_350 : vector<1x1x16xf32> to vector<16xf32>
        %add3A_352 = arith.addf %add3A_322, %get3A_351 : vector<16xf32>
        %scan3A_353 = arith.constant 6 : i32
        %scan3A_354 = arith.addi %scan3A_171, %scan3A_353 : i32
        %get3A_355 = arith.constant 0 : i32
        %get3A_356 = arith.index_cast %get3A_355 : i32 to index
        %get3A_357 = arith.index_cast %scan3A_354 : i32 to index
        %get3A_358 = arith.constant 0 : index
        %get3A_359 = tpu.vector_load %arg6[%get3A_356, %get3A_357, %get3A_358] {strides = array<i32>} : memref<2x200x128xf32, #tpu.memory_space<vmem>>, vector<1x1x16xf32>,
        %get3A_360 = vector.shape_cast %get3A_359 : vector<1x1x16xf32> to vector<16xf32>
        %add3A_361 = arith.addf %add3A_331, %get3A_360 : vector<16xf32>
        %get3A_362 = arith.constant 0 : i32
        %get3A_363 = arith.index_cast %get3A_362 : i32 to index
        %get3A_364 = arith.index_cast %scan3A_354 : i32 to index
        %get3A_365 = arith.constant 16 : index
        %get3A_366 = tpu.vector_load %arg6[%get3A_363, %get3A_364, %get3A_365] {strides = array<i32>} : memref<2x200x128xf32, #tpu.memory_space<vmem>>, vector<1x1x16xf32>,
        %get3A_367 = vector.shape_cast %get3A_366 : vector<1x1x16xf32> to vector<16xf32>
        %add3A_368 = arith.addf %add3A_338, %get3A_367 : vector<16xf32>
        %get3A_369 = arith.constant 0 : i32
        %get3A_370 = arith.index_cast %get3A_369 : i32 to index
        %get3A_371 = arith.index_cast %scan3A_354 : i32 to index
        %get3A_372 = arith.constant 32 : index
        %get3A_373 = tpu.vector_load %arg6[%get3A_370, %get3A_371, %get3A_372] {strides = array<i32>} : memref<2x200x128xf32, #tpu.memory_space<vmem>>, vector<1x1x16xf32>,
        %get3A_374 = vector.shape_cast %get3A_373 : vector<1x1x16xf32> to vector<16xf32>
        %add3A_375 = arith.addf %add3A_345, %get3A_374 : vector<16xf32>
        %get3A_376 = arith.constant 0 : i32
        %get3A_377 = arith.index_cast %get3A_376 : i32 to index
        %get3A_378 = arith.index_cast %scan3A_354 : i32 to index
        %get3A_379 = arith.constant 48 : index
        %get3A_380 = tpu.vector_load %arg6[%get3A_377, %get3A_378, %get3A_379] {strides = array<i32>} : memref<2x200x128xf32, #tpu.memory_space<vmem>>, vector<1x1x16xf32>,
        %get3A_381 = vector.shape_cast %get3A_380 : vector<1x1x16xf32> to vector<16xf32>
        %add3A_382 = arith.addf %add3A_352, %get3A_381 : vector<16xf32>
        %scan3A_383 = arith.constant 7 : i32
        %scan3A_384 = arith.addi %scan3A_171, %scan3A_383 : i32
        %get3A_385 = arith.constant 0 : i32
        %get3A_386 = arith.index_cast %get3A_385 : i32 to index
        %get3A_387 = arith.index_cast %scan3A_384 : i32 to index
        %get3A_388 = arith.constant 0 : index
        %get3A_389 = tpu.vector_load %arg6[%get3A_386, %get3A_387, %get3A_388] {strides = array<i32>} : memref<2x200x128xf32, #tpu.memory_space<vmem>>, vector<1x1x16xf32>,
        %get3A_390 = vector.shape_cast %get3A_389 : vector<1x1x16xf32> to vector<16xf32>
        %add3A_391 = arith.addf %add3A_361, %get3A_390 : vector<16xf32>
        %get3A_392 = arith.constant 0 : i32
        %get3A_393 = arith.index_cast %get3A_392 : i32 to index
        %get3A_394 = arith.index_cast %scan3A_384 : i32 to index
        %get3A_395 = arith.constant 16 : index
        %get3A_396 = tpu.vector_load %arg6[%get3A_393, %get3A_394, %get3A_395] {strides = array<i32>} : memref<2x200x128xf32, #tpu.memory_space<vmem>>, vector<1x1x16xf32>,
        %get3A_397 = vector.shape_cast %get3A_396 : vector<1x1x16xf32> to vector<16xf32>
        %add3A_398 = arith.addf %add3A_368, %get3A_397 : vector<16xf32>
        %get3A_399 = arith.constant 0 : i32
        %get3A_400 = arith.index_cast %get3A_399 : i32 to index
        %get3A_401 = arith.index_cast %scan3A_384 : i32 to index
        %get3A_402 = arith.constant 32 : index
        %get3A_403 = tpu.vector_load %arg6[%get3A_400, %get3A_401, %get3A_402] {strides = array<i32>} : memref<2x200x128xf32, #tpu.memory_space<vmem>>, vector<1x1x16xf32>,
        %get3A_404 = vector.shape_cast %get3A_403 : vector<1x1x16xf32> to vector<16xf32>
        %add3A_405 = arith.addf %add3A_375, %get3A_404 : vector<16xf32>
        %get3A_406 = arith.constant 0 : i32
        %get3A_407 = arith.index_cast %get3A_406 : i32 to index
        %get3A_408 = arith.index_cast %scan3A_384 : i32 to index
        %get3A_409 = arith.constant 48 : index
        %get3A_410 = tpu.vector_load %arg6[%get3A_407, %get3A_408, %get3A_409] {strides = array<i32>} : memref<2x200x128xf32, #tpu.memory_space<vmem>>, vector<1x1x16xf32>,
        %get3A_411 = vector.shape_cast %get3A_410 : vector<1x1x16xf32> to vector<16xf32>
        %add3A_412 = arith.addf %add3A_382, %get3A_411 : vector<16xf32>
        scf.yield %add3A_391, %add3A_398, %add3A_405, %add3A_412 : vector<16xf32>, vector<16xf32>, vector<16xf32>, vector<16xf32>
      }
      %scan3A_69 = arith.constant 200 : i32
      %mul3A_70 = arith.constant 5.000000e-03 : f32
      %mul3A_71 = vector.broadcast %mul3A_70 : f32 to vector<16xf32>
      %mul3A_72 = arith.mulf %scan3A_68#0, %mul3A_71 : vector<16xf32>
      %swap3A = arith.index_cast %add3A_38 : i32 to index
      %swap3A_73 = arith.constant 0 : index
      %swap3A_74 = tpu.vector_load %arg7[%swap3A, %swap3A_73] {strides = array<i32>} : memref<128x64xf32, #tpu.memory_space<vmem>>, vector<1x16xf32>,
      %swap3A_75 = vector.shape_cast %swap3A_74 : vector<1x16xf32> to vector<16xf32>
      %swap3A_76 = vector.shape_cast %mul3A_72 : vector<16xf32> to vector<1x16xf32>
      tpu.vector_store %arg7[%swap3A, %swap3A_73], %swap3A_76 {strides = array<i32>} : memref<128x64xf32, #tpu.memory_space<vmem>>, vector<1x16xf32>,
      %mul3A_77 = arith.constant 5.000000e-03 : f32
      %mul3A_78 = vector.broadcast %mul3A_77 : f32 to vector<16xf32>
      %mul3A_79 = arith.mulf %scan3A_68#1, %mul3A_78 : vector<16xf32>
      %swap3A_80 = arith.index_cast %add3A_38 : i32 to index
      %swap3A_81 = arith.constant 16 : index
      %swap3A_82 = tpu.vector_load %arg7[%swap3A_80, %swap3A_81] {strides = array<i32>} : memref<128x64xf32, #tpu.memory_space<vmem>>, vector<1x16xf32>,
      %swap3A_83 = vector.shape_cast %swap3A_82 : vector<1x16xf32> to vector<16xf32>
      %swap3A_84 = vector.shape_cast %mul3A_79 : vector<16xf32> to vector<1x16xf32>
      tpu.vector_store %arg7[%swap3A_80, %swap3A_81], %swap3A_84 {strides = array<i32>} : memref<128x64xf32, #tpu.memory_space<vmem>>, vector<1x16xf32>,
      %mul3A_85 = arith.constant 5.000000e-03 : f32
      %mul3A_86 = vector.broadcast %mul3A_85 : f32 to vector<16xf32>
      %mul3A_87 = arith.mulf %scan3A_68#2, %mul3A_86 : vector<16xf32>
      %swap3A_88 = arith.index_cast %add3A_38 : i32 to index
      %swap3A_89 = arith.constant 32 : index
      %swap3A_90 = tpu.vector_load %arg7[%swap3A_88, %swap3A_89] {strides = array<i32>} : memref<128x64xf32, #tpu.memory_space<vmem>>, vector<1x16xf32>,
      %swap3A_91 = vector.shape_cast %swap3A_90 : vector<1x16xf32> to vector<16xf32>
      %swap3A_92 = vector.shape_cast %mul3A_87 : vector<16xf32> to vector<1x16xf32>
      tpu.vector_store %arg7[%swap3A_88, %swap3A_89], %swap3A_92 {strides = array<i32>} : memref<128x64xf32, #tpu.memory_space<vmem>>, vector<1x16xf32>,
      %mul3A_93 = arith.constant 5.000000e-03 : f32
      %mul3A_94 = vector.broadcast %mul3A_93 : f32 to vector<16xf32>
      %mul3A_95 = arith.mulf %scan3A_68#3, %mul3A_94 : vector<16xf32>
      %swap3A_96 = arith.index_cast %add3A_38 : i32 to index
      %swap3A_97 = arith.constant 48 : index
      %swap3A_98 = tpu.vector_load %arg7[%swap3A_96, %swap3A_97] {strides = array<i32>} : memref<128x64xf32, #tpu.memory_space<vmem>>, vector<1x16xf32>,
      %swap3A_99 = vector.shape_cast %swap3A_98 : vector<1x16xf32> to vector<16xf32>
      %swap3A_100 = vector.shape_cast %mul3A_95 : vector<16xf32> to vector<1x16xf32>
      tpu.vector_store %arg7[%swap3A_96, %swap3A_97], %swap3A_100 {strides = array<i32>} : memref<128x64xf32, #tpu.memory_space<vmem>>, vector<1x16xf32>,
      %add3A_101 = arith.constant 1 : i32
      %add3A_102 = arith.addi %add3A_36, %add3A_101 : i32
      %add3A_103 = arith.constant 1 : i32
      %add3A_104 = arith.addi %add3A_102, %add3A_103 : i32
      %lt3A_105 = arith.constant 128 : i32
      %lt3A_106 = arith.cmpi slt, %add3A_104, %lt3A_105 : i32
      %convert_element_type3A_107 = arith.extui %lt3A_106 : i1 to i32
      %cond3A_108 = arith.constant 0 : i32
      %cond3A_109 = arith.cmpi ne, %convert_element_type3A_107, %cond3A_108 : i32
      scf.if %cond3A_109 {
        %add3A_171 = arith.constant 1 : i32
        %add3A_172 = arith.addi %add3A_102, %add3A_171 : i32
        %dma_start3A_173 = arith.constant 0 : i32
        %dma_start3A_174 = arith.constant 0 : i32
        %dma_start3A_175 = arith.constant 0 : i32
        %dma_start3A_176 = arith.constant 0 : i32
        %dma_start3A_177 = tpu.memref_slice %arg6[%dma_start3A_174, %dma_start3A_175, %dma_start3A_176] : memref<2x200x128xf32, #tpu.memory_space<vmem>> -> memref<1x100x128xf32, #tpu.memory_space<vmem>>
        %dma_start3A_178 = tpu.memref_squeeze %dma_start3A_177 : memref<1x100x128xf32, #tpu.memory_space<vmem>> -> memref<100x128xf32, #tpu.memory_space<vmem>>
        %dma_start3A_179 = arith.constant 0 : i32
        %dma_start3A_180 = tpu.memref_slice %arg5[%add3A_172, %dma_start3A_173, %dma_start3A_179] : memref<128x2x100xi32, #tpu.memory_space<vmem>> -> memref<1x1x100xi32, #tpu.memory_space<vmem>>
        %dma_start3A_181 = tpu.memref_squeeze %dma_start3A_180 : memref<1x1x100xi32, #tpu.memory_space<vmem>> -> memref<100xi32, #tpu.memory_space<vmem>>
        %dma_start3A_182 = arith.constant 0 : i32
        %dma_start3A_183 = arith.constant 0 : i32
        %dma_start3A_184 = tpu.memref_slice %arg2[%dma_start3A_182, %dma_start3A_183] : memref<1000000x128xf32, #tpu.memory_space<hbm>> -> memref<1000000x128xf32, #tpu.memory_space<hbm>>
        tpu.enqueue_indirect_dma source(%dma_start3A_184 : memref<1000000x128xf32, #tpu.memory_space<hbm>>) target(%dma_start3A_178 : memref<100x128xf32, #tpu.memory_space<vmem>>) offsets(%dma_start3A_181 : memref<100xi32, #tpu.memory_space<vmem>>) semaphore(%arg8 : memref<!tpu.dma_semaphore, #tpu.memory_space<semaphore_mem>>)
        %dma_start3A_185 = arith.constant 1 : i32
        %dma_start3A_186 = arith.constant 0 : i32
        %dma_start3A_187 = arith.constant 100 : i32
        %dma_start3A_188 = arith.constant 0 : i32
        %dma_start3A_189 = tpu.memref_slice %arg6[%dma_start3A_186, %dma_start3A_187, %dma_start3A_188] : memref<2x200x128xf32, #tpu.memory_space<vmem>> -> memref<1x100x128xf32, #tpu.memory_space<vmem>>
        %dma_start3A_190 = tpu.memref_squeeze %dma_start3A_189 : memref<1x100x128xf32, #tpu.memory_space<vmem>> -> memref<100x128xf32, #tpu.memory_space<vmem>>
        %dma_start3A_191 = arith.constant 0 : i32
        %dma_start3A_192 = tpu.memref_slice %arg5[%add3A_172, %dma_start3A_185, %dma_start3A_191] : memref<128x2x100xi32, #tpu.memory_space<vmem>> -> memref<1x1x100xi32, #tpu.memory_space<vmem>>
        %dma_start3A_193 = tpu.memref_squeeze %dma_start3A_192 : memref<1x1x100xi32, #tpu.memory_space<vmem>> -> memref<100xi32, #tpu.memory_space<vmem>>
        %dma_start3A_194 = arith.constant 0 : i32
        %dma_start3A_195 = arith.constant 0 : i32
        %dma_start3A_196 = tpu.memref_slice %arg2[%dma_start3A_194, %dma_start3A_195] : memref<1000000x128xf32, #tpu.memory_space<hbm>> -> memref<1000000x128xf32, #tpu.memory_space<hbm>>
        tpu.enqueue_indirect_dma source(%dma_start3A_196 : memref<1000000x128xf32, #tpu.memory_space<hbm>>) target(%dma_start3A_190 : memref<100x128xf32, #tpu.memory_space<vmem>>) offsets(%dma_start3A_193 : memref<100xi32, #tpu.memory_space<vmem>>) semaphore(%arg8 : memref<!tpu.dma_semaphore, #tpu.memory_space<semaphore_mem>>)
      } else {
      }
      %dma_wait3A_110 = arith.constant 1 : i32
      %dma_wait3A_111 = arith.constant 0 : i32
      %dma_wait3A_112 = arith.constant 0 : i32
      %dma_wait3A_113 = tpu.memref_slice %arg6[%dma_wait3A_110, %dma_wait3A_111, %dma_wait3A_112] : memref<2x200x128xf32, #tpu.memory_space<vmem>> -> memref<1x200x128xf32, #tpu.memory_space<vmem>>
      %dma_wait3A_114 = tpu.memref_squeeze %dma_wait3A_113 : memref<1x200x128xf32, #tpu.memory_space<vmem>> -> memref<200x128xf32, #tpu.memory_space<vmem>>
      %dma_wait3A_115 = arith.constant 0 : i32
      %dma_wait3A_116 = arith.constant 0 : i32
      %dma_wait3A_117 = tpu.memref_slice %arg2[%dma_wait3A_115, %dma_wait3A_116] : memref<1000000x128xf32, #tpu.memory_space<hbm>> -> memref<200x128xf32, #tpu.memory_space<hbm>>
      %dma_wait3A_118 = arith.constant 0 : i32
      %dma_wait3A_119 = arith.constant 0 : i32
      %dma_wait3A_120 = tpu.memref_slice %arg6[%dma_wait3A_110, %dma_wait3A_118, %dma_wait3A_119] : memref<2x200x128xf32, #tpu.memory_space<vmem>> -> memref<1x200x128xf32, #tpu.memory_space<vmem>>
      %dma_wait3A_121 = tpu.memref_squeeze %dma_wait3A_120 : memref<1x200x128xf32, #tpu.memory_space<vmem>> -> memref<200x128xf32, #tpu.memory_space<vmem>>
      %dma_wait3A_122 = arith.constant 0 : i32
      %dma_wait3A_123 = arith.constant 0 : i32
      %dma_wait3A_124 = tpu.memref_slice %arg2[%dma_wait3A_122, %dma_wait3A_123] : memref<1000000x128xf32, #tpu.memory_space<hbm>> -> memref<200x128xf32, #tpu.memory_space<hbm>>
      tpu.wait_dma2 semaphore(%arg9 : memref<!tpu.dma_semaphore, #tpu.memory_space<semaphore_mem>>) src(%dma_wait3A_124 : memref<200x128xf32, #tpu.memory_space<hbm>>) dst(%dma_wait3A_121 : memref<200x128xf32, #tpu.memory_space<vmem>>)
      %broadcast_in_dim3A_125 = arith.constant 0.000000e+00 : f32
      %broadcast_in_dim3A_126 = vector.broadcast %broadcast_in_dim3A_125 : f32 to vector<16xf32>
      %broadcast_in_dim3A_127 = arith.constant 0.000000e+00 : f32
      %broadcast_in_dim3A_128 = vector.broadcast %broadcast_in_dim3A_127 : f32 to vector<16xf32>
      %broadcast_in_dim3A_129 = arith.constant 0.000000e+00 : f32
      %broadcast_in_dim3A_130 = vector.broadcast %broadcast_in_dim3A_129 : f32 to vector<16xf32>
      %broadcast_in_dim3A_131 = arith.constant 0.000000e+00 : f32
      %broadcast_in_dim3A_132 = vector.broadcast %broadcast_in_dim3A_131 : f32 to vector<16xf32>
      %scan3A_133 = arith.constant 0 : i32
      %scan3A_134 = arith.constant 200 : i32
      %scan3A_135 = arith.addi %scan3A_133, %scan3A_134 : i32
      %scan3A_136 = arith.constant 8 : i32
      %scan3A_137:4 = scf.for %scan3A_171 = %scan3A_133 to %scan3A_135 step %scan3A_136 iter_args(%scan3A_172 = %broadcast_in_dim3A_126, %scan3A_173 = %broadcast_in_dim3A_128, %scan3A_174 = %broadcast_in_dim3A_130, %scan3A_175 = %broadcast_in_dim3A_132) -> (vector<16xf32>, vector<16xf32>, vector<16xf32>, vector<16xf32>)  : i32 {
        %get3A = arith.constant 1 : i32
        %get3A_176 = arith.index_cast %get3A : i32 to index
        %get3A_177 = arith.index_cast %scan3A_171 : i32 to index
        %get3A_178 = arith.constant 0 : index
        %get3A_179 = tpu.vector_load %arg6[%get3A_176, %get3A_177, %get3A_178] {strides = array<i32>} : memref<2x200x128xf32, #tpu.memory_space<vmem>>, vector<1x1x16xf32>,
        %get3A_180 = vector.shape_cast %get3A_179 : vector<1x1x16xf32> to vector<16xf32>
        %add3A_181 = arith.addf %scan3A_172, %get3A_180 : vector<16xf32>
        %get3A_182 = arith.constant 1 : i32
        %get3A_183 = arith.index_cast %get3A_182 : i32 to index
        %get3A_184 = arith.index_cast %scan3A_171 : i32 to index
        %get3A_185 = arith.constant 16 : index
        %get3A_186 = tpu.vector_load %arg6[%get3A_183, %get3A_184, %get3A_185] {strides = array<i32>} : memref<2x200x128xf32, #tpu.memory_space<vmem>>, vector<1x1x16xf32>,
        %get3A_187 = vector.shape_cast %get3A_186 : vector<1x1x16xf32> to vector<16xf32>
        %add3A_188 = arith.addf %scan3A_173, %get3A_187 : vector<16xf32>
        %get3A_189 = arith.constant 1 : i32
        %get3A_190 = arith.index_cast %get3A_189 : i32 to index
        %get3A_191 = arith.index_cast %scan3A_171 : i32 to index
        %get3A_192 = arith.constant 32 : index
        %get3A_193 = tpu.vector_load %arg6[%get3A_190, %get3A_191, %get3A_192] {strides = array<i32>} : memref<2x200x128xf32, #tpu.memory_space<vmem>>, vector<1x1x16xf32>,
        %get3A_194 = vector.shape_cast %get3A_193 : vector<1x1x16xf32> to vector<16xf32>
        %add3A_195 = arith.addf %scan3A_174, %get3A_194 : vector<16xf32>
        %get3A_196 = arith.constant 1 : i32
        %get3A_197 = arith.index_cast %get3A_196 : i32 to index
        %get3A_198 = arith.index_cast %scan3A_171 : i32 to index
        %get3A_199 = arith.constant 48 : index
        %get3A_200 = tpu.vector_load %arg6[%get3A_197, %get3A_198, %get3A_199] {strides = array<i32>} : memref<2x200x128xf32, #tpu.memory_space<vmem>>, vector<1x1x16xf32>,
        %get3A_201 = vector.shape_cast %get3A_200 : vector<1x1x16xf32> to vector<16xf32>
        %add3A_202 = arith.addf %scan3A_175, %get3A_201 : vector<16xf32>
        %scan3A_203 = arith.constant 1 : i32
        %scan3A_204 = arith.addi %scan3A_171, %scan3A_203 : i32
        %get3A_205 = arith.constant 1 : i32
        %get3A_206 = arith.index_cast %get3A_205 : i32 to index
        %get3A_207 = arith.index_cast %scan3A_204 : i32 to index
        %get3A_208 = arith.constant 0 : index
        %get3A_209 = tpu.vector_load %arg6[%get3A_206, %get3A_207, %get3A_208] {strides = array<i32>} : memref<2x200x128xf32, #tpu.memory_space<vmem>>, vector<1x1x16xf32>,
        %get3A_210 = vector.shape_cast %get3A_209 : vector<1x1x16xf32> to vector<16xf32>
        %add3A_211 = arith.addf %add3A_181, %get3A_210 : vector<16xf32>
        %get3A_212 = arith.constant 1 : i32
        %get3A_213 = arith.index_cast %get3A_212 : i32 to index
        %get3A_214 = arith.index_cast %scan3A_204 : i32 to index
        %get3A_215 = arith.constant 16 : index
        %get3A_216 = tpu.vector_load %arg6[%get3A_213, %get3A_214, %get3A_215] {strides = array<i32>} : memref<2x200x128xf32, #tpu.memory_space<vmem>>, vector<1x1x16xf32>,
        %get3A_217 = vector.shape_cast %get3A_216 : vector<1x1x16xf32> to vector<16xf32>
        %add3A_218 = arith.addf %add3A_188, %get3A_217 : vector<16xf32>
        %get3A_219 = arith.constant 1 : i32
        %get3A_220 = arith.index_cast %get3A_219 : i32 to index
        %get3A_221 = arith.index_cast %scan3A_204 : i32 to index
        %get3A_222 = arith.constant 32 : index
        %get3A_223 = tpu.vector_load %arg6[%get3A_220, %get3A_221, %get3A_222] {strides = array<i32>} : memref<2x200x128xf32, #tpu.memory_space<vmem>>, vector<1x1x16xf32>,
        %get3A_224 = vector.shape_cast %get3A_223 : vector<1x1x16xf32> to vector<16xf32>
        %add3A_225 = arith.addf %add3A_195, %get3A_224 : vector<16xf32>
        %get3A_226 = arith.constant 1 : i32
        %get3A_227 = arith.index_cast %get3A_226 : i32 to index
        %get3A_228 = arith.index_cast %scan3A_204 : i32 to index
        %get3A_229 = arith.constant 48 : index
        %get3A_230 = tpu.vector_load %arg6[%get3A_227, %get3A_228, %get3A_229] {strides = array<i32>} : memref<2x200x128xf32, #tpu.memory_space<vmem>>, vector<1x1x16xf32>,
        %get3A_231 = vector.shape_cast %get3A_230 : vector<1x1x16xf32> to vector<16xf32>
        %add3A_232 = arith.addf %add3A_202, %get3A_231 : vector<16xf32>
        %scan3A_233 = arith.constant 2 : i32
        %scan3A_234 = arith.addi %scan3A_171, %scan3A_233 : i32
        %get3A_235 = arith.constant 1 : i32
        %get3A_236 = arith.index_cast %get3A_235 : i32 to index
        %get3A_237 = arith.index_cast %scan3A_234 : i32 to index
        %get3A_238 = arith.constant 0 : index
        %get3A_239 = tpu.vector_load %arg6[%get3A_236, %get3A_237, %get3A_238] {strides = array<i32>} : memref<2x200x128xf32, #tpu.memory_space<vmem>>, vector<1x1x16xf32>,
        %get3A_240 = vector.shape_cast %get3A_239 : vector<1x1x16xf32> to vector<16xf32>
        %add3A_241 = arith.addf %add3A_211, %get3A_240 : vector<16xf32>
        %get3A_242 = arith.constant 1 : i32
        %get3A_243 = arith.index_cast %get3A_242 : i32 to index
        %get3A_244 = arith.index_cast %scan3A_234 : i32 to index
        %get3A_245 = arith.constant 16 : index
        %get3A_246 = tpu.vector_load %arg6[%get3A_243, %get3A_244, %get3A_245] {strides = array<i32>} : memref<2x200x128xf32, #tpu.memory_space<vmem>>, vector<1x1x16xf32>,
        %get3A_247 = vector.shape_cast %get3A_246 : vector<1x1x16xf32> to vector<16xf32>
        %add3A_248 = arith.addf %add3A_218, %get3A_247 : vector<16xf32>
        %get3A_249 = arith.constant 1 : i32
        %get3A_250 = arith.index_cast %get3A_249 : i32 to index
        %get3A_251 = arith.index_cast %scan3A_234 : i32 to index
        %get3A_252 = arith.constant 32 : index
        %get3A_253 = tpu.vector_load %arg6[%get3A_250, %get3A_251, %get3A_252] {strides = array<i32>} : memref<2x200x128xf32, #tpu.memory_space<vmem>>, vector<1x1x16xf32>,
        %get3A_254 = vector.shape_cast %get3A_253 : vector<1x1x16xf32> to vector<16xf32>
        %add3A_255 = arith.addf %add3A_225, %get3A_254 : vector<16xf32>
        %get3A_256 = arith.constant 1 : i32
        %get3A_257 = arith.index_cast %get3A_256 : i32 to index
        %get3A_258 = arith.index_cast %scan3A_234 : i32 to index
        %get3A_259 = arith.constant 48 : index
        %get3A_260 = tpu.vector_load %arg6[%get3A_257, %get3A_258, %get3A_259] {strides = array<i32>} : memref<2x200x128xf32, #tpu.memory_space<vmem>>, vector<1x1x16xf32>,
        %get3A_261 = vector.shape_cast %get3A_260 : vector<1x1x16xf32> to vector<16xf32>
        %add3A_262 = arith.addf %add3A_232, %get3A_261 : vector<16xf32>
        %scan3A_263 = arith.constant 3 : i32
        %scan3A_264 = arith.addi %scan3A_171, %scan3A_263 : i32
        %get3A_265 = arith.constant 1 : i32
        %get3A_266 = arith.index_cast %get3A_265 : i32 to index
        %get3A_267 = arith.index_cast %scan3A_264 : i32 to index
        %get3A_268 = arith.constant 0 : index
        %get3A_269 = tpu.vector_load %arg6[%get3A_266, %get3A_267, %get3A_268] {strides = array<i32>} : memref<2x200x128xf32, #tpu.memory_space<vmem>>, vector<1x1x16xf32>,
        %get3A_270 = vector.shape_cast %get3A_269 : vector<1x1x16xf32> to vector<16xf32>
        %add3A_271 = arith.addf %add3A_241, %get3A_270 : vector<16xf32>
        %get3A_272 = arith.constant 1 : i32
        %get3A_273 = arith.index_cast %get3A_272 : i32 to index
        %get3A_274 = arith.index_cast %scan3A_264 : i32 to index
        %get3A_275 = arith.constant 16 : index
        %get3A_276 = tpu.vector_load %arg6[%get3A_273, %get3A_274, %get3A_275] {strides = array<i32>} : memref<2x200x128xf32, #tpu.memory_space<vmem>>, vector<1x1x16xf32>,
        %get3A_277 = vector.shape_cast %get3A_276 : vector<1x1x16xf32> to vector<16xf32>
        %add3A_278 = arith.addf %add3A_248, %get3A_277 : vector<16xf32>
        %get3A_279 = arith.constant 1 : i32
        %get3A_280 = arith.index_cast %get3A_279 : i32 to index
        %get3A_281 = arith.index_cast %scan3A_264 : i32 to index
        %get3A_282 = arith.constant 32 : index
        %get3A_283 = tpu.vector_load %arg6[%get3A_280, %get3A_281, %get3A_282] {strides = array<i32>} : memref<2x200x128xf32, #tpu.memory_space<vmem>>, vector<1x1x16xf32>,
        %get3A_284 = vector.shape_cast %get3A_283 : vector<1x1x16xf32> to vector<16xf32>
        %add3A_285 = arith.addf %add3A_255, %get3A_284 : vector<16xf32>
        %get3A_286 = arith.constant 1 : i32
        %get3A_287 = arith.index_cast %get3A_286 : i32 to index
        %get3A_288 = arith.index_cast %scan3A_264 : i32 to index
        %get3A_289 = arith.constant 48 : index
        %get3A_290 = tpu.vector_load %arg6[%get3A_287, %get3A_288, %get3A_289] {strides = array<i32>} : memref<2x200x128xf32, #tpu.memory_space<vmem>>, vector<1x1x16xf32>,
        %get3A_291 = vector.shape_cast %get3A_290 : vector<1x1x16xf32> to vector<16xf32>
        %add3A_292 = arith.addf %add3A_262, %get3A_291 : vector<16xf32>
        %scan3A_293 = arith.constant 4 : i32
        %scan3A_294 = arith.addi %scan3A_171, %scan3A_293 : i32
        %get3A_295 = arith.constant 1 : i32
        %get3A_296 = arith.index_cast %get3A_295 : i32 to index
        %get3A_297 = arith.index_cast %scan3A_294 : i32 to index
        %get3A_298 = arith.constant 0 : index
        %get3A_299 = tpu.vector_load %arg6[%get3A_296, %get3A_297, %get3A_298] {strides = array<i32>} : memref<2x200x128xf32, #tpu.memory_space<vmem>>, vector<1x1x16xf32>,
        %get3A_300 = vector.shape_cast %get3A_299 : vector<1x1x16xf32> to vector<16xf32>
        %add3A_301 = arith.addf %add3A_271, %get3A_300 : vector<16xf32>
        %get3A_302 = arith.constant 1 : i32
        %get3A_303 = arith.index_cast %get3A_302 : i32 to index
        %get3A_304 = arith.index_cast %scan3A_294 : i32 to index
        %get3A_305 = arith.constant 16 : index
        %get3A_306 = tpu.vector_load %arg6[%get3A_303, %get3A_304, %get3A_305] {strides = array<i32>} : memref<2x200x128xf32, #tpu.memory_space<vmem>>, vector<1x1x16xf32>,
        %get3A_307 = vector.shape_cast %get3A_306 : vector<1x1x16xf32> to vector<16xf32>
        %add3A_308 = arith.addf %add3A_278, %get3A_307 : vector<16xf32>
        %get3A_309 = arith.constant 1 : i32
        %get3A_310 = arith.index_cast %get3A_309 : i32 to index
        %get3A_311 = arith.index_cast %scan3A_294 : i32 to index
        %get3A_312 = arith.constant 32 : index
        %get3A_313 = tpu.vector_load %arg6[%get3A_310, %get3A_311, %get3A_312] {strides = array<i32>} : memref<2x200x128xf32, #tpu.memory_space<vmem>>, vector<1x1x16xf32>,
        %get3A_314 = vector.shape_cast %get3A_313 : vector<1x1x16xf32> to vector<16xf32>
        %add3A_315 = arith.addf %add3A_285, %get3A_314 : vector<16xf32>
        %get3A_316 = arith.constant 1 : i32
        %get3A_317 = arith.index_cast %get3A_316 : i32 to index
        %get3A_318 = arith.index_cast %scan3A_294 : i32 to index
        %get3A_319 = arith.constant 48 : index
        %get3A_320 = tpu.vector_load %arg6[%get3A_317, %get3A_318, %get3A_319] {strides = array<i32>} : memref<2x200x128xf32, #tpu.memory_space<vmem>>, vector<1x1x16xf32>,
        %get3A_321 = vector.shape_cast %get3A_320 : vector<1x1x16xf32> to vector<16xf32>
        %add3A_322 = arith.addf %add3A_292, %get3A_321 : vector<16xf32>
        %scan3A_323 = arith.constant 5 : i32
        %scan3A_324 = arith.addi %scan3A_171, %scan3A_323 : i32
        %get3A_325 = arith.constant 1 : i32
        %get3A_326 = arith.index_cast %get3A_325 : i32 to index
        %get3A_327 = arith.index_cast %scan3A_324 : i32 to index
        %get3A_328 = arith.constant 0 : index
        %get3A_329 = tpu.vector_load %arg6[%get3A_326, %get3A_327, %get3A_328] {strides = array<i32>} : memref<2x200x128xf32, #tpu.memory_space<vmem>>, vector<1x1x16xf32>,
        %get3A_330 = vector.shape_cast %get3A_329 : vector<1x1x16xf32> to vector<16xf32>
        %add3A_331 = arith.addf %add3A_301, %get3A_330 : vector<16xf32>
        %get3A_332 = arith.constant 1 : i32
        %get3A_333 = arith.index_cast %get3A_332 : i32 to index
        %get3A_334 = arith.index_cast %scan3A_324 : i32 to index
        %get3A_335 = arith.constant 16 : index
        %get3A_336 = tpu.vector_load %arg6[%get3A_333, %get3A_334, %get3A_335] {strides = array<i32>} : memref<2x200x128xf32, #tpu.memory_space<vmem>>, vector<1x1x16xf32>,
        %get3A_337 = vector.shape_cast %get3A_336 : vector<1x1x16xf32> to vector<16xf32>
        %add3A_338 = arith.addf %add3A_308, %get3A_337 : vector<16xf32>
        %get3A_339 = arith.constant 1 : i32
        %get3A_340 = arith.index_cast %get3A_339 : i32 to index
        %get3A_341 = arith.index_cast %scan3A_324 : i32 to index
        %get3A_342 = arith.constant 32 : index
        %get3A_343 = tpu.vector_load %arg6[%get3A_340, %get3A_341, %get3A_342] {strides = array<i32>} : memref<2x200x128xf32, #tpu.memory_space<vmem>>, vector<1x1x16xf32>,
        %get3A_344 = vector.shape_cast %get3A_343 : vector<1x1x16xf32> to vector<16xf32>
        %add3A_345 = arith.addf %add3A_315, %get3A_344 : vector<16xf32>
        %get3A_346 = arith.constant 1 : i32
        %get3A_347 = arith.index_cast %get3A_346 : i32 to index
        %get3A_348 = arith.index_cast %scan3A_324 : i32 to index
        %get3A_349 = arith.constant 48 : index
        %get3A_350 = tpu.vector_load %arg6[%get3A_347, %get3A_348, %get3A_349] {strides = array<i32>} : memref<2x200x128xf32, #tpu.memory_space<vmem>>, vector<1x1x16xf32>,
        %get3A_351 = vector.shape_cast %get3A_350 : vector<1x1x16xf32> to vector<16xf32>
        %add3A_352 = arith.addf %add3A_322, %get3A_351 : vector<16xf32>
        %scan3A_353 = arith.constant 6 : i32
        %scan3A_354 = arith.addi %scan3A_171, %scan3A_353 : i32
        %get3A_355 = arith.constant 1 : i32
        %get3A_356 = arith.index_cast %get3A_355 : i32 to index
        %get3A_357 = arith.index_cast %scan3A_354 : i32 to index
        %get3A_358 = arith.constant 0 : index
        %get3A_359 = tpu.vector_load %arg6[%get3A_356, %get3A_357, %get3A_358] {strides = array<i32>} : memref<2x200x128xf32, #tpu.memory_space<vmem>>, vector<1x1x16xf32>,
        %get3A_360 = vector.shape_cast %get3A_359 : vector<1x1x16xf32> to vector<16xf32>
        %add3A_361 = arith.addf %add3A_331, %get3A_360 : vector<16xf32>
        %get3A_362 = arith.constant 1 : i32
        %get3A_363 = arith.index_cast %get3A_362 : i32 to index
        %get3A_364 = arith.index_cast %scan3A_354 : i32 to index
        %get3A_365 = arith.constant 16 : index
        %get3A_366 = tpu.vector_load %arg6[%get3A_363, %get3A_364, %get3A_365] {strides = array<i32>} : memref<2x200x128xf32, #tpu.memory_space<vmem>>, vector<1x1x16xf32>,
        %get3A_367 = vector.shape_cast %get3A_366 : vector<1x1x16xf32> to vector<16xf32>
        %add3A_368 = arith.addf %add3A_338, %get3A_367 : vector<16xf32>
        %get3A_369 = arith.constant 1 : i32
        %get3A_370 = arith.index_cast %get3A_369 : i32 to index
        %get3A_371 = arith.index_cast %scan3A_354 : i32 to index
        %get3A_372 = arith.constant 32 : index
        %get3A_373 = tpu.vector_load %arg6[%get3A_370, %get3A_371, %get3A_372] {strides = array<i32>} : memref<2x200x128xf32, #tpu.memory_space<vmem>>, vector<1x1x16xf32>,
        %get3A_374 = vector.shape_cast %get3A_373 : vector<1x1x16xf32> to vector<16xf32>
        %add3A_375 = arith.addf %add3A_345, %get3A_374 : vector<16xf32>
        %get3A_376 = arith.constant 1 : i32
        %get3A_377 = arith.index_cast %get3A_376 : i32 to index
        %get3A_378 = arith.index_cast %scan3A_354 : i32 to index
        %get3A_379 = arith.constant 48 : index
        %get3A_380 = tpu.vector_load %arg6[%get3A_377, %get3A_378, %get3A_379] {strides = array<i32>} : memref<2x200x128xf32, #tpu.memory_space<vmem>>, vector<1x1x16xf32>,
        %get3A_381 = vector.shape_cast %get3A_380 : vector<1x1x16xf32> to vector<16xf32>
        %add3A_382 = arith.addf %add3A_352, %get3A_381 : vector<16xf32>
        %scan3A_383 = arith.constant 7 : i32
        %scan3A_384 = arith.addi %scan3A_171, %scan3A_383 : i32
        %get3A_385 = arith.constant 1 : i32
        %get3A_386 = arith.index_cast %get3A_385 : i32 to index
        %get3A_387 = arith.index_cast %scan3A_384 : i32 to index
        %get3A_388 = arith.constant 0 : index
        %get3A_389 = tpu.vector_load %arg6[%get3A_386, %get3A_387, %get3A_388] {strides = array<i32>} : memref<2x200x128xf32, #tpu.memory_space<vmem>>, vector<1x1x16xf32>,
        %get3A_390 = vector.shape_cast %get3A_389 : vector<1x1x16xf32> to vector<16xf32>
        %add3A_391 = arith.addf %add3A_361, %get3A_390 : vector<16xf32>
        %get3A_392 = arith.constant 1 : i32
        %get3A_393 = arith.index_cast %get3A_392 : i32 to index
        %get3A_394 = arith.index_cast %scan3A_384 : i32 to index
        %get3A_395 = arith.constant 16 : index
        %get3A_396 = tpu.vector_load %arg6[%get3A_393, %get3A_394, %get3A_395] {strides = array<i32>} : memref<2x200x128xf32, #tpu.memory_space<vmem>>, vector<1x1x16xf32>,
        %get3A_397 = vector.shape_cast %get3A_396 : vector<1x1x16xf32> to vector<16xf32>
        %add3A_398 = arith.addf %add3A_368, %get3A_397 : vector<16xf32>
        %get3A_399 = arith.constant 1 : i32
        %get3A_400 = arith.index_cast %get3A_399 : i32 to index
        %get3A_401 = arith.index_cast %scan3A_384 : i32 to index
        %get3A_402 = arith.constant 32 : index
        %get3A_403 = tpu.vector_load %arg6[%get3A_400, %get3A_401, %get3A_402] {strides = array<i32>} : memref<2x200x128xf32, #tpu.memory_space<vmem>>, vector<1x1x16xf32>,
        %get3A_404 = vector.shape_cast %get3A_403 : vector<1x1x16xf32> to vector<16xf32>
        %add3A_405 = arith.addf %add3A_375, %get3A_404 : vector<16xf32>
        %get3A_406 = arith.constant 1 : i32
        %get3A_407 = arith.index_cast %get3A_406 : i32 to index
        %get3A_408 = arith.index_cast %scan3A_384 : i32 to index
        %get3A_409 = arith.constant 48 : index
        %get3A_410 = tpu.vector_load %arg6[%get3A_407, %get3A_408, %get3A_409] {strides = array<i32>} : memref<2x200x128xf32, #tpu.memory_space<vmem>>, vector<1x1x16xf32>,
        %get3A_411 = vector.shape_cast %get3A_410 : vector<1x1x16xf32> to vector<16xf32>
        %add3A_412 = arith.addf %add3A_382, %get3A_411 : vector<16xf32>
        scf.yield %add3A_391, %add3A_398, %add3A_405, %add3A_412 : vector<16xf32>, vector<16xf32>, vector<16xf32>, vector<16xf32>
      }
      %scan3A_138 = arith.constant 200 : i32
      %mul3A_139 = arith.constant 5.000000e-03 : f32
      %mul3A_140 = vector.broadcast %mul3A_139 : f32 to vector<16xf32>
      %mul3A_141 = arith.mulf %scan3A_137#0, %mul3A_140 : vector<16xf32>
      %swap3A_142 = arith.index_cast %add3A_102 : i32 to index
      %swap3A_143 = arith.constant 0 : index
      %swap3A_144 = tpu.vector_load %arg7[%swap3A_142, %swap3A_143] {strides = array<i32>} : memref<128x64xf32, #tpu.memory_space<vmem>>, vector<1x16xf32>,
      %swap3A_145 = vector.shape_cast %swap3A_144 : vector<1x16xf32> to vector<16xf32>
      %swap3A_146 = vector.shape_cast %mul3A_141 : vector<16xf32> to vector<1x16xf32>
      tpu.vector_store %arg7[%swap3A_142, %swap3A_143], %swap3A_146 {strides = array<i32>} : memref<128x64xf32, #tpu.memory_space<vmem>>, vector<1x16xf32>,
      %mul3A_147 = arith.constant 5.000000e-03 : f32
      %mul3A_148 = vector.broadcast %mul3A_147 : f32 to vector<16xf32>
      %mul3A_149 = arith.mulf %scan3A_137#1, %mul3A_148 : vector<16xf32>
      %swap3A_150 = arith.index_cast %add3A_102 : i32 to index
      %swap3A_151 = arith.constant 16 : index
      %swap3A_152 = tpu.vector_load %arg7[%swap3A_150, %swap3A_151] {strides = array<i32>} : memref<128x64xf32, #tpu.memory_space<vmem>>, vector<1x16xf32>,
      %swap3A_153 = vector.shape_cast %swap3A_152 : vector<1x16xf32> to vector<16xf32>
      %swap3A_154 = vector.shape_cast %mul3A_149 : vector<16xf32> to vector<1x16xf32>
      tpu.vector_store %arg7[%swap3A_150, %swap3A_151], %swap3A_154 {strides = array<i32>} : memref<128x64xf32, #tpu.memory_space<vmem>>, vector<1x16xf32>,
      %mul3A_155 = arith.constant 5.000000e-03 : f32
      %mul3A_156 = vector.broadcast %mul3A_155 : f32 to vector<16xf32>
      %mul3A_157 = arith.mulf %scan3A_137#2, %mul3A_156 : vector<16xf32>
      %swap3A_158 = arith.index_cast %add3A_102 : i32 to index
      %swap3A_159 = arith.constant 32 : index
      %swap3A_160 = tpu.vector_load %arg7[%swap3A_158, %swap3A_159] {strides = array<i32>} : memref<128x64xf32, #tpu.memory_space<vmem>>, vector<1x16xf32>,
      %swap3A_161 = vector.shape_cast %swap3A_160 : vector<1x16xf32> to vector<16xf32>
      %swap3A_162 = vector.shape_cast %mul3A_157 : vector<16xf32> to vector<1x16xf32>
      tpu.vector_store %arg7[%swap3A_158, %swap3A_159], %swap3A_162 {strides = array<i32>} : memref<128x64xf32, #tpu.memory_space<vmem>>, vector<1x16xf32>,
      %mul3A_163 = arith.constant 5.000000e-03 : f32
      %mul3A_164 = vector.broadcast %mul3A_163 : f32 to vector<16xf32>
      %mul3A_165 = arith.mulf %scan3A_137#3, %mul3A_164 : vector<16xf32>
      %swap3A_166 = arith.index_cast %add3A_102 : i32 to index
      %swap3A_167 = arith.constant 48 : index
      %swap3A_168 = tpu.vector_load %arg7[%swap3A_166, %swap3A_167] {strides = array<i32>} : memref<128x64xf32, #tpu.memory_space<vmem>>, vector<1x16xf32>,
      %swap3A_169 = vector.shape_cast %swap3A_168 : vector<1x16xf32> to vector<16xf32>
      %swap3A_170 = vector.shape_cast %mul3A_165 : vector<16xf32> to vector<1x16xf32>
      tpu.vector_store %arg7[%swap3A_166, %swap3A_167], %swap3A_170 {strides = array<i32>} : memref<128x64xf32, #tpu.memory_space<vmem>>, vector<1x16xf32>,
    }
    %scan3A_31 = arith.constant 64 : i32
    "tpu.region"() ({
      %run_scoped3A = tpu.sem_alloc : memref<!tpu.dma_semaphore, #tpu.memory_space<semaphore_mem>>
      %dma_start3A_32 = arith.constant 0 : i32
      %dma_start3A_33 = tpu.memref_slice %arg4[%mul3A_2, %dma_start3A_32] : memref<4096x64xf32, #tpu.memory_space<hbm>> -> memref<128x64xf32, #tpu.memory_space<hbm>>
      %dma_start3A_34 = arith.constant 0 : i32
      %dma_start3A_35 = tpu.memref_slice %arg4[%mul3A_2, %dma_start3A_34] : memref<4096x64xf32, #tpu.memory_space<hbm>> -> memref<128x64xf32, #tpu.memory_space<hbm>>
      tpu.enqueue_dma source(%arg7 : memref<128x64xf32, #tpu.memory_space<vmem>>) target(%dma_start3A_35 : memref<128x64xf32, #tpu.memory_space<hbm>>) target_semaphore(%run_scoped3A : memref<!tpu.dma_semaphore, #tpu.memory_space<semaphore_mem>>)
      %dma_wait3A = arith.constant 0 : i32
      %dma_wait3A_36 = tpu.memref_slice %arg4[%mul3A_2, %dma_wait3A] : memref<4096x64xf32, #tpu.memory_space<hbm>> -> memref<128x64xf32, #tpu.memory_space<hbm>>
      %dma_wait3A_37 = arith.constant 0 : i32
      %dma_wait3A_38 = tpu.memref_slice %arg4[%mul3A_2, %dma_wait3A_37] : memref<4096x64xf32, #tpu.memory_space<hbm>> -> memref<128x64xf32, #tpu.memory_space<hbm>>
      tpu.wait_dma2 semaphore(%run_scoped3A : memref<!tpu.dma_semaphore, #tpu.memory_space<semaphore_mem>>) src(%arg7 : memref<128x64xf32, #tpu.memory_space<vmem>>) dst(%dma_wait3A_38 : memref<128x64xf32, #tpu.memory_space<hbm>>)
      tpu.yield
    }) : () -> ()
    return
  }
}

module attributes {stable_mosaic.version = 14 : i64} {
  func.func @_fmt_body(%arg0: i32, %arg1: memref<64x8192xf32, #tpu.memory_space<vmem>>, %arg2: memref<8192x128xf32, #tpu.memory_space<vmem>>) attributes {dimension_semantics = [#tpu.dimension_semantics<arbitrary>], iteration_bounds = array<i64: 123>, scalar_prefetch = 0 : i64, scratch_operands = 0 : i64, tpu.core_type = #tpu.core_type<tc>, window_params = [{transform_indices = @transform_0, window_bounds = array<i64: 64, 8192>}, {transform_indices = @transform_1, window_bounds = array<i64: 8192, 128>}]} {
    %get3A = arith.constant 0 : index
    %get3A_0 = arith.constant 0 : index
    %get3A_1 = vector.load %arg1[%get3A, %get3A_0] : memref<64x8192xf32, #tpu.memory_space<vmem>>, vector<64x8192xf32>
    %transpose3A = tpu.transpose %get3A_1, [1, 0] : vector<64x8192xf32> -> vector<8192x64xf32>
    %jit3A = arith.constant 0 : i32
    %convert_element_type3A = arith.sitofp %jit3A : i32 to f32
    %pad3A = vector.broadcast %convert_element_type3A : f32 to vector<8192x64xf32>
    %pad3A_2 = tpu.concatenate %transpose3A, %pad3A in 1 : vector<8192x64xf32>, vector<8192x64xf32> -> vector<8192x128xf32>
    %swap3A = arith.constant 0 : index
    %swap3A_3 = arith.constant 0 : index
    %swap3A_4 = vector.load %arg2[%swap3A, %swap3A_3] : memref<8192x128xf32, #tpu.memory_space<vmem>>, vector<8192x128xf32>
    tpu.vector_store %arg2[%swap3A, %swap3A_3], %pad3A_2 {strides = array<i32>} : memref<8192x128xf32, #tpu.memory_space<vmem>>, vector<8192x128xf32>,
    return
  }
  func.func @transform_0(%arg0: i32) -> (i32, i32) {
    %c0_i32 = arith.constant 0 : i32
    %c0_i32_0 = arith.constant 0 : i32
    return %c0_i32, %arg0 : i32, i32
  }
  func.func @transform_1(%arg0: i32) -> (i32, i32) {
    %c0_i32 = arith.constant 0 : i32
    %c0_i32_0 = arith.constant 0 : i32
    return %arg0, %c0_i32 : i32, i32
  }
}

module attributes {stable_mosaic.version = 14 : i64} {
  func.func @_dense_body(%arg0: memref<4096x64xf32, #tpu.memory_space<vmem>>, %arg1: memref<64x128xf32, #tpu.memory_space<vmem>>, %arg2: memref<1x128xf32, #tpu.memory_space<vmem>>, %arg3: memref<128x100xf32, #tpu.memory_space<vmem>>, %arg4: memref<1x100xf32, #tpu.memory_space<vmem>>, %arg5: memref<4096x100xf32, #tpu.memory_space<vmem>>) attributes {dimension_semantics = [], scalar_prefetch = 0 : i64, scratch_operands = 0 : i64, tpu.core_type = #tpu.core_type<tc>} {
    %get3A = arith.constant 0 : index
    %get3A_0 = arith.constant 0 : index
    %get3A_1 = vector.load %arg0[%get3A, %get3A_0] : memref<4096x64xf32, #tpu.memory_space<vmem>>, vector<4096x64xf32>
    %get3A_2 = arith.constant 0 : index
    %get3A_3 = arith.constant 0 : index
    %get3A_4 = vector.load %arg1[%get3A_2, %get3A_3] : memref<64x128xf32, #tpu.memory_space<vmem>>, vector<64x128xf32>
    %dot_general3A = arith.constant dense<0.000000e+00> : vector<4096x128xf32>
    %dot_general3A_5 = tpu.matmul %get3A_1, %get3A_4, %dot_general3A {dimension_numbers = #tpu.dot_dimension_numbers<[1], [0], [0], [1], [0, 0, 1, 1], [], []>, transpose_lhs_hint = false} : vector<4096x64xf32>, vector<64x128xf32>, vector<4096x128xf32> -> vector<4096x128xf32>
    %get3A_6 = arith.constant 0 : index
    %get3A_7 = arith.constant 0 : index
    %get3A_8 = vector.load %arg2[%get3A_6, %get3A_7] : memref<1x128xf32, #tpu.memory_space<vmem>>, vector<1x128xf32>
    %add3A = vector.broadcast %get3A_8 : vector<1x128xf32> to vector<4096x128xf32>
    %add3A_9 = arith.addf %dot_general3A_5, %add3A : vector<4096x128xf32>
    %get3A_10 = arith.constant 0 : index
    %get3A_11 = arith.constant 0 : index
    %get3A_12 = vector.load %arg3[%get3A_10, %get3A_11] : memref<128x100xf32, #tpu.memory_space<vmem>>, vector<128x100xf32>
    %dot_general3A_13 = arith.constant dense<0.000000e+00> : vector<4096x100xf32>
    %dot_general3A_14 = tpu.matmul %add3A_9, %get3A_12, %dot_general3A_13 {dimension_numbers = #tpu.dot_dimension_numbers<[1], [0], [0], [1], [0, 0, 1, 1], [], []>, transpose_lhs_hint = false} : vector<4096x128xf32>, vector<128x100xf32>, vector<4096x100xf32> -> vector<4096x100xf32>
    %get3A_15 = arith.constant 0 : index
    %get3A_16 = arith.constant 0 : index
    %get3A_17 = vector.load %arg4[%get3A_15, %get3A_16] : memref<1x100xf32, #tpu.memory_space<vmem>>, vector<1x100xf32>
    %add3A_18 = vector.broadcast %get3A_17 : vector<1x100xf32> to vector<4096x100xf32>
    %add3A_19 = arith.addf %dot_general3A_14, %add3A_18 : vector<4096x100xf32>
    %reduce_max3A = arith.constant dense<0xFF800000> : vector<4096xf32>
    %reduce_max3A_20 = vector.multi_reduction <maximumf>, %add3A_19, %reduce_max3A [1] : vector<4096x100xf32> to vector<4096xf32>
    %broadcast_in_dim3A = vector.shape_cast %reduce_max3A_20 : vector<4096xf32> to vector<4096x1xf32>
    %sub3A = vector.broadcast %broadcast_in_dim3A : vector<4096x1xf32> to vector<4096x100xf32>
    %sub3A_21 = arith.subf %add3A_19, %sub3A : vector<4096x100xf32>
    %exp3A = math.exp %sub3A_21 : vector<4096x100xf32>
    %reduce_sum3A = arith.constant dense<0.000000e+00> : vector<4096xf32>
    %reduce_sum3A_22 = vector.multi_reduction <add>, %exp3A, %reduce_sum3A [1] : vector<4096x100xf32> to vector<4096xf32>
    %broadcast_in_dim3A_23 = vector.shape_cast %reduce_sum3A_22 : vector<4096xf32> to vector<4096x1xf32>
    %div3A = vector.broadcast %broadcast_in_dim3A_23 : vector<4096x1xf32> to vector<4096x100xf32>
    %div3A_24 = arith.divf %exp3A, %div3A : vector<4096x100xf32>
    %swap3A = arith.constant 0 : index
    %swap3A_25 = arith.constant 0 : index
    %swap3A_26 = vector.load %arg5[%swap3A, %swap3A_25] : memref<4096x100xf32, #tpu.memory_space<vmem>>, vector<4096x100xf32>
    tpu.vector_store %arg5[%swap3A, %swap3A_25], %div3A_24 {strides = array<i32>} : memref<4096x100xf32, #tpu.memory_space<vmem>>, vector<4096x100xf32>,
    return
  }
}

</mosaic_0001>

<sc_bundles>
// kernel: kernel.5.cloned.1.call-start
scs
__scs_entry_jumppad:
0x0: {  	(pc) =	sbr.rel $0x88, $3  }
0x1: {  	(tag) =	ssettag $0x0;
	lr =	simm.s32 $0x1  }
0x2: {  	[smem:$0x3F9B] =	sst lr;
	_ =	strace $0xD0000000  }
0x3: {  	_ = 	snop  }
0x4: {  	_ = 	snop  }
0x5: {  	_ = 	snop  }
0x6: {  	_ = 	snop  }
0x7: {  	_ = 	snop  }
__scs_overlays_trampoline_lowered:
0x8: {  	[smem:$0x3FAA] =	sst s0  }
0x9: {  	[smem:$0x3FAB] =	sst s1  }
0xa: {  	[smem:$0x3FAC] =	sst s2  }
0xb: {  	[smem:$0x3FAD] =	sst s3  }
0xc: {  	[smem:$0x3FAE] =	sst s4  }
0xd: {  	[smem:$0x3FAF] =	sst s5  }
0xe: {  	[smem:$0x3FB0] =	sst s6  }
0xf: {  	[smem:$0x3FB1] =	sst s7  }
0x10: {  	[smem:$0x3FB2] =	sst s8  }
0x11: {  	[smem:$0x3FB3] =	sst s9;
	s0 =	simm.s32 @!p0 $0x0  }
0x12: {  	s1 =	sld [smem:$0x3F99];
	s0 =	simm.s32 @p0 $0x1  }
0x13: {  	[smem:$0x3FB4] =	sst s0;
	s0 =	simm.s32 @!p1 $0x0  }
0x14: {  	s2 =	sld [smem:$0x3F98];
	s0 =	simm.s32 @p1 $0x1  }
0x15: {  	[smem:$0x3FB5] =	sst s0;
	s0 =	simm.s32 @!p2 $0x0  }
0x16: {  	s3 =	sld [smem:$0x3FDB];
	s0 =	simm.s32 @p2 $0x1  }
0x17: {  	s4 =	simm.s32 $0x1BF5;
	[smem:$0x3FB7] =	sst s0  }
0x18: {  	s0 =	sld [smem:$0x3F9A];
	_ =	swait.ge [sflag:s4], $0x0  }
0x19: {  	s7 =	sld [smem:$0x3F9B]  }
0x1a: {  	s8 =	sadd.s32 $0xFFFFE003, lr  }
0x1b: {  	s9 =	sadd.s32 $0xFFFFFEF7, lr;
	s5 =	simm.s32 $0xFFFFFFFF;
	p2 =	slt.u32 s8, $0xFFFFF086  }
0x1c: {  	p1 =	slt.u32 s9, $0xF7A;
	s5 =	simm.s32 @!p2 $0x0  }
0x1d: {  	s5 =	simm.s32 @p1 $0x1;
	p0 =	seq.s32 s7, s2  }
0x1e: {  	s7 =	smul.u32 @!p0 $0xF7A, s2;
	p2 =	seq.s32 @!p0 s5, $0x0  }
0x1f: {  	s9 =	smul.u32 $0xF7A, s1;
	s8 =	simm.s32 @!p0 $0x1BF5;
	p2 =	por !p2, p0  }
0x20: {  	[sflag:s8] =	ssyncset.s32 @!p0 $0xFFFFF086;
	s6 =	sadd.s32 @!p0 s3, s7;
	s7 =	simm.s32 @!p0 $0x108  }
0x21: {  	s3 =	sadd.s32 s3, s9;
	s6 =	sadd.s32 @!p0 $0x88, s6;
	s7 =	simm.s32 @p2 $0x1082  }
0x22: {  	[simem:s7], [sflag:s8] =	dma.local @!p0 [hbm:s6], $0xF7A  }
0x23: {  	s9 =	sor.u32 $0xD0000000, s2;
	s6 =	simm.s32 $0x108;
	_ =	swait.ge @!p0 [sflag:s8], $0x0  }
0x24: {  	s3 =	sadd.s32 $0x88, s3;
	s6 =	simm.s32 @!p1 $0x1082;
	[sflag:s4] =	ssyncset.s32 $0xFFFFF086  }
0x25: {  	[simem:s6], [sflag:s4] =	dma.local [hbm:s3], $0xF7A  }
0x26: {  	[smem:$0x3F9B] =	sst s1;
	(tag) =	ssettag s2;
	_ =	strace s9  }
0x27: {  	s1 =	sld [smem:$0x3FAB]  }
0x28: {  	s2 =	sld [smem:$0x3FAC]  }
0x29: {  	s4 =	sld [smem:$0x3FAE]  }
0x2a: {  	p0 =	seq.s32 s5, $0x0;
	s5 =	sld [smem:$0x3FAF]  }
0x2b: {  	s6 =	sld [smem:$0x3FB0]  }
0x2c: {  	s7 =	sld [smem:$0x3FB1]  }
0x2d: {  	s3 =	simm.s32 $0x108;
	s8 =	sld [smem:$0x3FB2]  }
0x2e: {  	s3 =	simm.s32 @!p0 $0x1082;
	s9 =	sld [smem:$0x3FB3]  }
0x2f: {  	lr =	sadd.s32 s0, s3;
	s0 =	sld [smem:$0x3FAA]  }
0x30: {  	s3 =	sld [smem:$0x3FAD]  }
0x31: {  	[smem:$0x3FB6] =	sst s10  }
0x32: {  	s10 =	sld [smem:$0x3FB4];
	_ =	sdelay $0x3  }
0x33: {  	p0 =	seq.s32 s10, $0x1;
	s10 =	sld [smem:$0x3FB6];
	_ =	sdelay $0x3  }
0x34: {  	[smem:$0x3FB6] =	sst s10  }
0x35: {  	s10 =	sld [smem:$0x3FB5];
	_ =	sdelay $0x3  }
0x36: {  	p1 =	seq.s32 s10, $0x1;
	s10 =	sld [smem:$0x3FB6];
	_ =	sdelay $0x3  }
0x37: {  	[smem:$0x3FB6] =	sst s10  }
0x38: {  	s10 =	sld [smem:$0x3FB7]  }
0x39: {  	_ = 	snop;
	(pc) =	sbr.ind lr, $3  }
0x3a: {  	_ = 	snop  }
0x3b: {  	_ = 	snop  }
0x3c: {  	p2 =	seq.s32 s10, $0x1;
	s10 =	sld [smem:$0x3FB6]  }
0x3d: {  	_ =	shalt  }
0x3e: {  	_ =	shalt  }
0x3f: {  	_ =	shalt  }
0x40: {  	_ =	shalt  }
0x41: {  	_ =	shalt  }
0x42: {  	_ =	shalt  }
0x43: {  	_ =	shalt  }
0x44: {  	_ =	shalt  }
0x45: {  	_ =	shalt  }
0x46: {  	_ =	shalt  }
0x47: {  	_ =	shalt  }
0x48: {  	_ =	shalt  }
0x49: {  	_ =	shalt  }
0x4a: {  	_ =	shalt  }
0x4b: {  	_ =	shalt  }
0x4c: {  	_ =	shalt  }
0x4d: {  	_ =	shalt  }
0x4e: {  	_ =	shalt  }
0x4f: {  	_ =	shalt  }
0x50: {  	_ =	shalt  }
0x51: {  	_ =	shalt  }
0x52: {  	_ =	shalt  }
0x53: {  	_ =	shalt  }
0x54: {  	_ =	shalt  }
0x55: {  	_ =	shalt  }
0x56: {  	_ =	shalt  }
0x57: {  	_ =	shalt  }
0x58: {  	_ =	shalt  }
0x59: {  	_ =	shalt  }
0x5a: {  	_ =	shalt  }
0x5b: {  	_ =	shalt  }
0x5c: {  	_ =	shalt  }
0x5d: {  	_ =	shalt  }
0x5e: {  	_ =	shalt  }
0x5f: {  	_ =	shalt  }
0x60: {  	_ =	shalt  }
0x61: {  	_ =	shalt  }
0x62: {  	_ =	shalt  }
0x63: {  	_ =	shalt  }
0x64: {  	_ =	shalt  }
0x65: {  	_ =	shalt  }
0x66: {  	_ =	shalt  }
0x67: {  	_ =	shalt  }
0x68: {  	_ =	shalt  }
0x69: {  	_ =	shalt  }
0x6a: {  	_ =	shalt  }
0x6b: {  	_ =	shalt  }
0x6c: {  	_ =	shalt  }
0x6d: {  	_ =	shalt  }
0x6e: {  	_ =	shalt  }
0x6f: {  	_ =	shalt  }
0x70: {  	_ =	shalt  }
0x71: {  	_ =	shalt  }
0x72: {  	_ =	shalt  }
0x73: {  	_ =	shalt  }
0x74: {  	_ =	shalt  }
0x75: {  	_ =	shalt  }
0x76: {  	_ =	shalt  }
0x77: {  	_ =	shalt  }
0x78: {  	_ =	shalt  }
0x79: {  	_ =	shalt  }
0x7a: {  	_ =	shalt  }
0x7b: {  	_ =	shalt  }
0x7c: {  	_ =	shalt  }
0x7d: {  	_ =	shalt  }
0x7e: {  	_ =	shalt  }
0x7f: {  	_ =	shalt  }
0x80: {  	_ =	shalt  }
0x81: {  	_ =	shalt  }
0x82: {  	_ =	shalt  }
0x83: {  	_ =	shalt  }
0x84: {  	_ =	shalt  }
0x85: {  	_ =	shalt  }
0x86: {  	_ =	shalt  }
0x87: {  	_ =	shalt  }
.Lfunc_end0:
.L_simem_size_0:
called_computation_lowered:
.L_overlay_start_0:
0x88: {  	s2 =	sld [smem:$0x3FD9]  }
0x89: {  	s3 =	sld [smem:$0x3FFE];
	_ =	sdelay $0x1  }
0x8a: {  	s1 =	srdreg.scid  }
0x8b: {  	s0 =	sand.u32 $0x1, s1  }
0x8c: {  	s17 =	sshll.u32 s0, $0xA;
	s2 =	sadd.s32 s3, s2  }
0x8d: {  	s2 =	sadd.s32 s2, s17  }
0x8e: {  	[smem:$0x3FC2] =	sst s2  }
0x8f: {  	_ = 	snop  }
0x90: {  	s2 =	sld [smem:$0x3FD0];
	(tm) =	ssettm $0x1  }
0x91: {  	s18 =	sld [smem:$0x3FFB];
	_ =	sdelay $0x3  }
0x92: {  	_ =	strace s18  }
0x93: {  	s3 =	sld [smem:$0x3FFC];
	_ =	sdelay $0x3  }
0x94: {  	_ =	strace s3  }
0x95: {  	s3 =	sld [smem:$0x3FFD];
	_ =	sdelay $0x3  }
0x96: {  	_ =	strace s3  }
0x97: {  	_ =	strace $0x8FFFFFFF  }
0x98: {  	s19 =	sld [smem:$0x3FDB];
	_ =	sdelay $0x1  }
0x99: {  	s4 =	simm.s32 $_scs_section_size  }
0x9a: {  	s5 =	simm.s32 $_size__tile_overlayer_lowered;
	s6 =	simm.s32 $_tile_overlayer_lowered  }
0x9b: {  	s22 =	simm.s32 $0x1BFF;
	s21 =	sshll.u32 s6, $0x1;
	s3 =	sadd.s32 s4, s19  }
0x9c: {  	s7 =	simm.s32 $0x0;
	s20 =	sshll.u32 s5, $0x1;
	s5 =	sadd.s32 s21, s3  }
0x9d: {  	[timem:s7], [sflag:s22] =	dma.local [hbm:s5], s20  }
0x9e: {  	_ =	swait.ge [sflag:s22], s20  }
0x9f: {  	s4 =	ssub.s32 $0x0, s20;
	[sflag:s22] =	ssyncset.done $0x0  }
0xa0: {  	[sflag:s22] =	ssyncadd.s32 s4;
	_ =	sdelay $0x1  }
0xa1: {  	s23 =	simm.s32 $0x1B8B  }
0xa2: {  	_ =	swait.ge [sflag:s23], $0x1  }
0xa3: {  	[sflag:s23] =	ssyncset.done $0x0  }
0xa4: {  	s25 =	simm.s32 $0x1B8E;
	s24 =	sld [smem:$0x3FFE];
	[sflag:s23] =	ssyncadd.s32 $0xFFFFFFFF  }
0xa5: {  	s26 =	simm.s32 $execute0_lowered;
	[smem:$0x3FD2] =	sst s25  }
0xa6: {  	s5 =	sshll.u32 s26, $0x1;
	_ =	strace $0x80000046;
	[dreg:$0x1] =	wrdreg $0xFFFFFFFF  }
0xa7: {  	s28 =	simm.s32 $_size_execute0_lowered;
	s3 =	sadd.s32 s3, s5;
	[dreg:$0x0] =	wrdreg $0x0  }
0xa8: {  	s5 =	sshll.u32 s28, $0x1;
	[dreg:$0x2] =	wrdreg s3  }
0xa9: {  	[dreg:$0x3] =	wrdreg s5  }
0xaa: {  	[dreg:$0x4] =	wrdreg $0xC0  }
0xab: {  	_ =	task [dreg:s7], $0x5FFFF  }
0xac: {  	[dreg:$0x1] =	wrdreg $0xFFFFFFFF  }
0xad: {  	[dreg:$0x0] =	wrdreg $0x60  }
0xae: {  	[dreg:$0x2] =	wrdreg s24  }
0xaf: {  	[dreg:$0x3] =	wrdreg s2  }
0xb0: {  	[dreg:$0x4] =	wrdreg $0x9  }
0xb1: {  	_ =	task.clear_ibuf [dreg:s7], $0x5FFFF;
	_ =	strace $0x90000046  }
0xb2: {  	s29 =	simm.s32 $0x9;
	_ =	strace $0x80000048  }
0xb3: {  	_ =	swait.ge [sflag:s29], $0x1  }
0xb4: {  	[sflag:s29] =	ssyncadd.s32 $0xFFFFFFFF  }
0xb5: {  	_ =	strace $0x90000048  }
0xb6: {  	_ =	sfence  }
0xb7: {  	s30 =	sld [smem:$0x0];
	_ =	sdelay $0x2  }
0xb8: {  	s31 =	sshll.u32 s1, $0xD;
	s1 =	sshrl.u32 s1, $0x2  }
0xb9: {  	s3 =	sand.u32 $0x4000, s31;
	s1 =	sadd.s32 s1, s30  }
0xba: {  	s0 =	sor.u32 s3, s0;
	s1 =	sshll.u32 s1, $0x11  }
0xbb: {  	s0 =	sor.u32 s1, s0  }
0xbc: {  	s0 =	sadd.s32 $0x8F2B, s0  }
0xbd: {  	[sflag:s0] =	ssyncadd.remote.s32 $0x1  }
0xbe: {  	_ =	sfence.sel $0xFFFF  }
0xbf: {  	[dreg:$0x0] =	wrdreg $0xFFFFFFFF;
	(pc) =	sbr.abs _section_cstart, $3  }
0xc0: {  	[dreg:$0x1] =	wrdreg $0xFFFFFFFF  }
0xc1: {  	_ =	task.clear_ibuf [dreg:s7], $0x2FFFF;
	_ =	strace $0x9FFFFFFF  }
0xc2: {  	(tm) =	ssettm $0x7FFFFFFF  }
0xc3: {  	_ =	shalt  }
tec
execute0_lowered:
.L_overlay_start_1:
0x0: {  	(tag) =	ssettag $0x1  }
0x1: {  	s1 =	srdreg.scid  }
0x2: {  	s4 =	rddreg [dreg:$0x0];
	s0 =	stileid.u32  }
0x3: {  	s6 =	rddreg [dreg:$0x1];
	s2 =	simm.s32 $0x0;
	s9 =	simm.s32 $0x6800  }
0x4: {  	s10 =	simm.s32 $0x68;
	s11 =	simm.s32 $0x9A00;
	s12 =	simm.s32 $0xCC00  }
0x5: {  	s13 =	simm.s32 $0xFE00;
	s14 =	simm.s32 $0x1;
	s5 =	sand.u32 $0x1, s1  }
0x6: {  	s15 =	simm.s32 $0x2;
	s3 =	sshll.u32 s0, $0x8;
	s7 =	sshll.u32 s5, $0x7  }
0x7: {  	s16 =	simm.s32 $0x13000;
	s1 =	rddreg [dreg:$0x2];
	s7 =	sor.u32 s7, s3  }
0x8: {  	s17 =	simm.s32 $0x0;
	[smem:$0x7FF] =	sst s2;
	s8 =	smul.u32 $0x1A, s7  }
0x9: {  	_ =	strace $0x80000047;
	s5 =	ssub.s32 $0x2, s5;
	s3 =	sadd.s32 $0x1AC00, s4  }
0xa: {  	s31 =	sshrl.u32 s5, $0x1;
	s7 =	sshll.u32 s7, $0x3;
	s4 =	sadd.s32 s8, s4  }
0xb: {  	s8 =	ssub.s32 s5, s31;
	s5 =	sadd.s32 s6, s7;
	s7 =	simm.s32 $0x3  }
0xc: {  	s4 =	sadd.s32 $0xC00, s4;
	s6 =	smax.u32 s8, $0x1;
	s8 =	simm.s32 $0x64  }
.LBB2_1:
0xd: {  	[tilespmem:s2], [sflag:$0x3] =	stream.linear.gather [hbm4b:s4+s2], $0x6800, $0x38;
	[tilespmem:$0x15000] =	vst v63  }
0xe: {  	_ =	swait.ge [sflag:s7], $0x6800  }
0xf: {  	[sflag:s7] =	ssyncset.done $0x0  }
0x10: {  	[sflag:s7] =	ssyncadd.s32 $0xFFFF9800  }
0x11: {  	[tilespmem:s9], [sflag:$0x1] =	stream.indirect.gather [hbm4b:s3+s8], $0x80, s2, s8, $0xb8;
	[tilespmem:$0x15000] =	vst v63  }
0x12: {  	s18 =	simm.s32 $0x0  }
0x13: {  	[tilespmem:s11], [sflag:$0x1] =	stream.indirect.gather [hbm4b:s3+s8], $0x80, s10, s8, $0xb8;
	[tilespmem:$0x15000] =	vst v63  }
.LBB2_2:
0x14: {  	s19 =	sshllo.u32 s18, $0x1  }
0x15: {  	s20 =	smul.u32 $0x340, s19;
	_ =	sdelay $0x1  }
0x16: {  	s20 =	sshra.s32 s20, $0x2  }
0x17: {  	[tilespmem:s12], [sflag:$0x2] =	stream.indirect.gather [hbm4b:s3+s8], $0x80, s20, s8, $0xb8;
	[tilespmem:$0x15000] =	vst v63  }
0x18: {  	s20 =	sadd.s32 $0x68, s20  }
0x19: {  	[tilespmem:s13], [sflag:$0x2] =	stream.indirect.gather [hbm4b:s3+s8], $0x80, s20, s8, $0xb8;
	[tilespmem:$0x15000] =	vst v63  }
0x1a: {  	_ =	swait.ge [sflag:s14], $0x6400  }
0x1b: {  	[sflag:s14] =	ssyncset.done $0x0  }
0x1c: {  	s21 =	simm.s32 $0x6A00;
	[sflag:s14] =	ssyncadd.s32 $0xFFFF9C00  }
0x1d: {  	v0 =	vld [tilespmem:s21+$0x180]  }
0x1e: {  	v1 =	vld [tilespmem:s21+$0x190]  }
0x1f: {  	v2 =	vld [tilespmem:s21+$0x100]  }
0x20: {  	v3 =	vld [tilespmem:s21+$0x110]  }
0x21: {  	v9 =	vld [tilespmem:s21+$0x80]  }
0x22: {  	v12 =	vld [tilespmem:s21+$0x90]  }
0x23: {  	v7 =	vld [tilespmem:s21+$0x0]  }
0x24: {  	v8 =	vld [tilespmem:s21+$0x10]  }
0x25: {  	v5 =	vld [tilespmem:s21+$0xFFFFFF80]  }
0x26: {  	v6 =	vld [tilespmem:s21+$0xFFFFFF90]  }
0x27: {  	v4 =	vld [tilespmem:s21+$0xFFFFFF00]  }
0x28: {  	v10 =	vld [tilespmem:s21+$0xFFFFFF10]  }
0x29: {  	v11 =	vld [tilespmem:s21+$0xFFFFFE80]  }
0x2a: {  	v13 =	vld [tilespmem:s21+$0xFFFFFE90]  }
0x2b: {  	v14 =	vld [tilespmem:s21+$0xFFFFFE00]  }
0x2c: {  	v15 =	vld [tilespmem:s21+$0xFFFFFE10]  }
0x2d: {  	v16 =	vld [tilespmem:s21+$0xFFFFFE20]  }
0x2e: {  	v17 =	vld [tilespmem:s21+$0xFFFFFE30]  }
0x2f: {  	v18 =	vld [tilespmem:s21+$0xFFFFFEA0]  }
0x30: {  	v19 =	vld [tilespmem:s21+$0xFFFFFEB0]  }
0x31: {  	v20 =	vimm.f32 $0.0e+00;
	v21 =	vld [tilespmem:s21+$0xFFFFFF20]  }
0x32: {  	v22 =	vld [tilespmem:s21+$0xFFFFFF30];
	v14 =	vadd.f32 v14, v20;
	v15 =	vadd.f32 v15, v20  }
0x33: {  	v59 =	vld [tilespmem:s21+$0xFFFFFFA0];
	v16 =	vadd.f32 v16, v20;
	v17 =	vadd.f32 v17, v20  }
0x34: {  	v11 =	vadd.f32 v11, v14;
	v13 =	vadd.f32 v13, v15;
	v14 =	vld [tilespmem:s21+$0xFFFFFFB0]  }
0x35: {  	v61 =	vld [tilespmem:s21+$0x20];
	v15 =	vadd.f32 v18, v16;
	v60 =	vadd.f32 v19, v17  }
0x36: {  	v11 =	vadd.f32 v4, v11;
	v10 =	vadd.f32 v10, v13;
	v13 =	vld [tilespmem:s21+$0x30]  }
0x37: {  	v15 =	vadd.f32 v21, v15;
	v16 =	vadd.f32 v22, v60;
	v4 =	vld [tilespmem:s21+$0xA0]  }
0x38: {  	v11 =	vadd.f32 v5, v11;
	v10 =	vadd.f32 v6, v10;
	v6 =	vld [tilespmem:s21+$0xB0]  }
0x39: {  	v15 =	vadd.f32 v59, v15;
	v5 =	vld [tilespmem:s21+$0x120];
	v14 =	vadd.f32 v14, v16  }
0x3a: {  	v62 =	vadd.f32 v7, v11;
	v63 =	vadd.f32 v8, v10;
	v8 =	vld [tilespmem:s21+$0x130]  }
0x3b: {  	v11 =	vadd.f32 v61, v15;
	v7 =	vld [tilespmem:s21+$0x1A0];
	v10 =	vadd.f32 v13, v14  }
0x3c: {  	s20 =	simm.s32 $0x0;
	v13 =	vadd.f32 v9, v62;
	v12 =	vadd.f32 v12, v63;
	v9 =	vld [tilespmem:s21+$0x1B0];
	s21 =	simm.s32 $0x6E00  }
.LBB2_3:
0x3d: {  	v14 =	vld [tilespmem:s21+$0x180];
	v4 =	vadd.f32 v4, v11;
	v6 =	vadd.f32 v6, v10  }
0x3e: {  	v10 =	vld [tilespmem:s21+$0x190];
	v11 =	vadd.f32 v2, v13;
	v12 =	vadd.f32 v3, v12  }
0x3f: {  	v2 =	vld [tilespmem:s21+$0x100];
	v4 =	vadd.f32 v5, v4;
	v5 =	vadd.f32 v8, v6  }
0x40: {  	v3 =	vld [tilespmem:s21+$0x110];
	v6 =	vadd.f32 v0, v11;
	v8 =	vadd.f32 v1, v12  }
0x41: {  	v12 =	vld [tilespmem:s21+$0x80];
	v4 =	vadd.f32 v7, v4;
	v5 =	vadd.f32 v9, v5  }
0x42: {  	v9 =	vld [tilespmem:s21+$0x90];
	v0 =	vmov v14  }
0x43: {  	v7 =	vld [tilespmem:s21+$0x0];
	v1 =	vmov v10  }
0x44: {  	v10 =	vld [tilespmem:s21+$0x10]  }
0x45: {  	v11 =	vld [tilespmem:s21+$0xFFFFFF80]  }
0x46: {  	v13 =	vld [tilespmem:s21+$0xFFFFFF90]  }
0x47: {  	v14 =	vld [tilespmem:s21+$0xFFFFFF00]  }
0x48: {  	v15 =	vld [tilespmem:s21+$0xFFFFFF10]  }
0x49: {  	v16 =	vld [tilespmem:s21+$0xFFFFFE80]  }
0x4a: {  	v17 =	vld [tilespmem:s21+$0xFFFFFE90]  }
0x4b: {  	v18 =	vld [tilespmem:s21+$0xFFFFFE00]  }
0x4c: {  	v19 =	vld [tilespmem:s21+$0xFFFFFE10]  }
0x4d: {  	v20 =	vld [tilespmem:s21+$0xFFFFFE20]  }
0x4e: {  	s20 =	sadd.s32 $0x8, s20;
	v21 =	vld [tilespmem:s21+$0xFFFFFE30]  }
0x4f: {  	p0 =	slt.u32 s20, $0xC0;
	v22 =	vld [tilespmem:s21+$0xFFFFFEA0]  }
0x50: {  	v23 =	vld [tilespmem:s21+$0xFFFFFEB0]  }
0x51: {  	v24 =	vld [tilespmem:s21+$0xFFFFFF20]  }
0x52: {  	v6 =	vadd.f32 v18, v6;
	v8 =	vadd.f32 v19, v8;
	v18 =	vld [tilespmem:s21+$0xFFFFFF30]  }
0x53: {  	v4 =	vadd.f32 v20, v4;
	v5 =	vadd.f32 v21, v5;
	v19 =	vld [tilespmem:s21+$0xFFFFFFA0]  }
0x54: {  	v6 =	vadd.f32 v16, v6;
	v8 =	vadd.f32 v17, v8;
	v16 =	vld [tilespmem:s21+$0xFFFFFFB0]  }
0x55: {  	v4 =	vadd.f32 v22, v4;
	v5 =	vadd.f32 v23, v5;
	v17 =	vld [tilespmem:s21+$0x20]  }
0x56: {  	v6 =	vadd.f32 v14, v6;
	v8 =	vadd.f32 v15, v8;
	v14 =	vld [tilespmem:s21+$0x30]  }
0x57: {  	v15 =	vadd.f32 v24, v4;
	v5 =	vadd.f32 v18, v5;
	v4 =	vld [tilespmem:s21+$0xA0]  }
.Ltmp0:
0x58: {  	v11 =	vadd.f32 v11, v6;
	v8 =	vadd.f32 v13, v8;
	v6 =	vld [tilespmem:s21+$0xB0];
	(pc) =	sbr.rel @p0 .LBB2_3-.Ltmp0, $4  }
0x59: {  	v13 =	vadd.f32 v19, v15;
	v15 =	vadd.f32 v16, v5;
	v5 =	vld [tilespmem:s21+$0x120]  }
0x5a: {  	v16 =	vadd.f32 v7, v11;
	v18 =	vadd.f32 v10, v8;
	v8 =	vld [tilespmem:s21+$0x130]  }
0x5b: {  	v11 =	vadd.f32 v17, v13;
	v10 =	vadd.f32 v14, v15;
	v7 =	vld [tilespmem:s21+$0x1A0]  }
0x5c: {  	v13 =	vadd.f32 v12, v16;
	v12 =	vadd.f32 v9, v18;
	v9 =	vld [tilespmem:s21+$0x1B0];
	s21 =	sadd.s32 $0x400, s21  }
0x5d: {  	_ = 	snop  }
0x5e: {  	v4 =	vadd.f32 v4, v11;
	v2 =	vadd.f32 v2, v13  }
0x5f: {  	v6 =	vadd.f32 v6, v10;
	v3 =	vadd.f32 v3, v12  }
0x60: {  	v4 =	vadd.f32 v5, v4;
	v0 =	vadd.f32 v0, v2  }
0x61: {  	v2 =	vadd.f32 v8, v6;
	v1 =	vadd.f32 v1, v3  }
0x62: {  	s20 =	sshll.u32 s18, $0x7;
	v3 =	vadd.f32 v7, v4;
	v0 =	vmul.f32 $4.999999890e-03, v0  }
0x63: {  	p0 =	seq.s32 s18, $0x3F;
	s20 =	sand.u32 $0x3FFFFF80, s20;
	v2 =	vadd.f32 v9, v2;
	v1 =	vmul.f32 $4.999999890e-03, v1  }
0x64: {  	s21 =	smul.u32 @!p0 $0x680, s18;
	[tilespmem:s20+$0x13000] =	vst v0;
	v0 =	vmul.f32 $4.999999890e-03, v3  }
0x65: {  	[tilespmem:s20+$0x13010] =	vst v1;
	v1 =	vmul.f32 $4.999999890e-03, v2  }
0x66: {  	s21 =	sshra.s32 @!p0 s21, $0x2;
	[tilespmem:s20+$0x13020] =	vst v0  }
0x67: {  	s22 =	simm.s32 @!p0 $0x64;
	s23 =	simm.s32 @!p0 $0x6800;
	[tilespmem:s20+$0x13030] =	vst v1;
	s20 =	sadd.s32 @!p0 $0x1A0, s21  }
0x68: {  	[tilespmem:s23], [sflag:$0x1] =	stream.indirect.gather @!p0 [hbm4b:s3+s22], $0x80, s20, s22, $0xb8;
	[tilespmem:$0x15000] =	vst v63  }
0x69: {  	s20 =	sadd.s32 @!p0 $0x208, s21;
	s21 =	simm.s32 @!p0 $0x9A00  }
0x6a: {  	[tilespmem:s21], [sflag:$0x1] =	stream.indirect.gather @!p0 [hbm4b:s3+s22], $0x80, s20, s22, $0xb8;
	[tilespmem:$0x15000] =	vst v63  }
0x6b: {  	_ =	swait.ge [sflag:s15], $0x6400  }
0x6c: {  	[sflag:s15] =	ssyncset.done $0x0  }
0x6d: {  	s31 =	simm.s32 $0xCC00;
	[sflag:s15] =	ssyncadd.s32 $0xFFFF9C00  }
0x6e: {  	v0 =	vld [tilespmem:s31+$0x380]  }
0x6f: {  	v1 =	vld [tilespmem:s31+$0x390]  }
0x70: {  	v2 =	vld [tilespmem:s31+$0x300]  }
0x71: {  	v3 =	vld [tilespmem:s31+$0x310]  }
0x72: {  	v9 =	vld [tilespmem:s31+$0x280]  }
0x73: {  	v12 =	vld [tilespmem:s31+$0x290]  }
0x74: {  	v7 =	vld [tilespmem:s31+$0x200]  }
0x75: {  	v8 =	vld [tilespmem:s31+$0x210]  }
0x76: {  	v5 =	vld [tilespmem:s31+$0x180]  }
0x77: {  	v6 =	vld [tilespmem:s31+$0x190]  }
0x78: {  	v4 =	vld [tilespmem:s31+$0x100]  }
0x79: {  	v10 =	vld [tilespmem:s31+$0x110]  }
0x7a: {  	v11 =	vld [tilespmem:s31+$0x80]  }
0x7b: {  	v13 =	vld [tilespmem:s31+$0x90]  }
0x7c: {  	v14 =	vld [tilespmem:s31+$0x0]  }
0x7d: {  	v15 =	vld [tilespmem:s31+$0x10]  }
0x7e: {  	v16 =	vld [tilespmem:s31+$0x20]  }
0x7f: {  	v17 =	vld [tilespmem:s31+$0x30]  }
0x80: {  	v18 =	vld [tilespmem:s31+$0xA0]  }
0x81: {  	v19 =	vld [tilespmem:s31+$0xB0]  }
0x82: {  	v20 =	vimm.f32 $0.0e+00;
	v21 =	vld [tilespmem:s31+$0x120]  }
0x83: {  	v22 =	vld [tilespmem:s31+$0x130];
	v14 =	vadd.f32 v14, v20;
	v15 =	vadd.f32 v15, v20  }
0x84: {  	v59 =	vld [tilespmem:s31+$0x1A0];
	v16 =	vadd.f32 v16, v20;
	v17 =	vadd.f32 v17, v20  }
0x85: {  	v11 =	vadd.f32 v11, v14;
	v13 =	vadd.f32 v13, v15;
	v14 =	vld [tilespmem:s31+$0x1B0]  }
0x86: {  	v61 =	vld [tilespmem:s31+$0x220];
	v15 =	vadd.f32 v18, v16;
	v60 =	vadd.f32 v19, v17  }
0x87: {  	v11 =	vadd.f32 v4, v11;
	v10 =	vadd.f32 v10, v13;
	v13 =	vld [tilespmem:s31+$0x230]  }
0x88: {  	v15 =	vadd.f32 v21, v15;
	v16 =	vadd.f32 v22, v60;
	v4 =	vld [tilespmem:s31+$0x2A0]  }
0x89: {  	v11 =	vadd.f32 v5, v11;
	v10 =	vadd.f32 v6, v10;
	v6 =	vld [tilespmem:s31+$0x2B0]  }
0x8a: {  	v15 =	vadd.f32 v59, v15;
	v5 =	vld [tilespmem:s31+$0x320];
	v14 =	vadd.f32 v14, v16  }
0x8b: {  	v62 =	vadd.f32 v7, v11;
	v63 =	vadd.f32 v8, v10;
	v8 =	vld [tilespmem:s31+$0x330]  }
0x8c: {  	v11 =	vadd.f32 v61, v15;
	v7 =	vld [tilespmem:s31+$0x3A0];
	v10 =	vadd.f32 v13, v14  }
0x8d: {  	s20 =	simm.s32 $0x0;
	s21 =	simm.s32 $0xD000;
	v13 =	vadd.f32 v9, v62;
	v12 =	vadd.f32 v12, v63;
	v9 =	vld [tilespmem:s31+$0x3B0]  }
.LBB2_5:
0x8e: {  	v14 =	vld [tilespmem:s21+$0x380];
	v4 =	vadd.f32 v4, v11;
	v6 =	vadd.f32 v6, v10  }
0x8f: {  	v10 =	vld [tilespmem:s21+$0x390];
	v11 =	vadd.f32 v2, v13;
	v12 =	vadd.f32 v3, v12  }
0x90: {  	v2 =	vld [tilespmem:s21+$0x300];
	v4 =	vadd.f32 v5, v4;
	v5 =	vadd.f32 v8, v6  }
0x91: {  	v3 =	vld [tilespmem:s21+$0x310];
	v6 =	vadd.f32 v0, v11;
	v8 =	vadd.f32 v1, v12  }
0x92: {  	v12 =	vld [tilespmem:s21+$0x280];
	v4 =	vadd.f32 v7, v4;
	v5 =	vadd.f32 v9, v5  }
0x93: {  	v9 =	vld [tilespmem:s21+$0x290];
	v0 =	vmov v14  }
0x94: {  	v7 =	vld [tilespmem:s21+$0x200];
	v1 =	vmov v10  }
0x95: {  	v10 =	vld [tilespmem:s21+$0x210]  }
0x96: {  	v11 =	vld [tilespmem:s21+$0x180]  }
0x97: {  	v13 =	vld [tilespmem:s21+$0x190]  }
0x98: {  	v14 =	vld [tilespmem:s21+$0x100]  }
0x99: {  	v15 =	vld [tilespmem:s21+$0x110]  }
0x9a: {  	v16 =	vld [tilespmem:s21+$0x80]  }
0x9b: {  	v17 =	vld [tilespmem:s21+$0x90]  }
0x9c: {  	v18 =	vld [tilespmem:s21+$0x0]  }
0x9d: {  	v19 =	vld [tilespmem:s21+$0x10]  }
0x9e: {  	v20 =	vld [tilespmem:s21+$0x20]  }
0x9f: {  	s20 =	sadd.s32 $0x8, s20;
	v21 =	vld [tilespmem:s21+$0x30]  }
0xa0: {  	p0 =	slt.u32 s20, $0xC0;
	v22 =	vld [tilespmem:s21+$0xA0]  }
0xa1: {  	v23 =	vld [tilespmem:s21+$0xB0]  }
0xa2: {  	v24 =	vld [tilespmem:s21+$0x120]  }
0xa3: {  	v6 =	vadd.f32 v18, v6;
	v8 =	vadd.f32 v19, v8;
	v18 =	vld [tilespmem:s21+$0x130]  }
0xa4: {  	v4 =	vadd.f32 v20, v4;
	v5 =	vadd.f32 v21, v5;
	v19 =	vld [tilespmem:s21+$0x1A0]  }
0xa5: {  	v6 =	vadd.f32 v16, v6;
	v8 =	vadd.f32 v17, v8;
	v16 =	vld [tilespmem:s21+$0x1B0]  }
0xa6: {  	v4 =	vadd.f32 v22, v4;
	v5 =	vadd.f32 v23, v5;
	v17 =	vld [tilespmem:s21+$0x220]  }
0xa7: {  	v6 =	vadd.f32 v14, v6;
	v8 =	vadd.f32 v15, v8;
	v14 =	vld [tilespmem:s21+$0x230]  }
0xa8: {  	v15 =	vadd.f32 v24, v4;
	v5 =	vadd.f32 v18, v5;
	v4 =	vld [tilespmem:s21+$0x2A0]  }
.Ltmp1:
0xa9: {  	v11 =	vadd.f32 v11, v6;
	v8 =	vadd.f32 v13, v8;
	v6 =	vld [tilespmem:s21+$0x2B0];
	(pc) =	sbr.rel @p0 .LBB2_5-.Ltmp1, $4  }
0xaa: {  	v13 =	vadd.f32 v19, v15;
	v15 =	vadd.f32 v16, v5;
	v5 =	vld [tilespmem:s21+$0x320]  }
0xab: {  	v16 =	vadd.f32 v7, v11;
	v18 =	vadd.f32 v10, v8;
	v8 =	vld [tilespmem:s21+$0x330]  }
0xac: {  	v11 =	vadd.f32 v17, v13;
	v10 =	vadd.f32 v14, v15;
	v7 =	vld [tilespmem:s21+$0x3A0]  }
0xad: {  	v13 =	vadd.f32 v12, v16;
	v12 =	vadd.f32 v9, v18;
	v9 =	vld [tilespmem:s21+$0x3B0];
	s21 =	sadd.s32 $0x400, s21  }
0xae: {  	_ = 	snop  }
0xaf: {  	v4 =	vadd.f32 v4, v11;
	v2 =	vadd.f32 v2, v13  }
0xb0: {  	v6 =	vadd.f32 v6, v10;
	v3 =	vadd.f32 v3, v12  }
0xb1: {  	v4 =	vadd.f32 v5, v4;
	v0 =	vadd.f32 v0, v2  }
0xb2: {  	s18 =	sadd.s32 $0x1, s18;
	v60 =	vadd.f32 v8, v6;
	v1 =	vadd.f32 v1, v3  }
0xb3: {  	s19 =	sshll.u32 s19, $0x6;
	p0 =	sne.s32 s18, $0x40;
	v61 =	vadd.f32 v7, v4;
	v0 =	vmul.f32 $4.999999890e-03, v0  }
.Ltmp2:
0xb4: {  	s19 =	sand.u32 $0x3FFFFFC0, s19;
	v2 =	vadd.f32 v9, v60;
	v1 =	vmul.f32 $4.999999890e-03, v1;
	(pc) =	sbr.rel @p0 .LBB2_2-.Ltmp2, $4  }
0xb5: {  	v62 =	vmul.f32 $4.999999890e-03, v61;
	[tilespmem:s19+$0x13000] =	vst v0  }
0xb6: {  	v63 =	vmul.f32 $4.999999890e-03, v2;
	[tilespmem:s19+$0x13010] =	vst v1  }
0xb7: {  	[tilespmem:s19+$0x13020] =	vst v62  }
0xb8: {  	[tilespmem:s19+$0x13030] =	vst v63  }
0xb9: {  	s17 =	sadd.s32 $0x1, s17  }
0xba: {  	p0 =	sne.s32 s17, s6  }
.Ltmp3:
0xbb: {  	_ = 	snop;
	(pc) =	sbr.rel @p0 .LBB2_1-.Ltmp3, $4  }
0xbc: {  	[hbm4b:s5+s2] =	stream.linear.scatter [tilespmem:s16], [sflag:$0x3], $0x2000, $0x38;
	[tilespmem:$0x15000] =	vst v63  }
0xbd: {  	_ =	swait.ge [sflag:s7], $0x2000  }
0xbe: {  	[sflag:s7] =	ssyncset.done $0x0  }
0xbf: {  	[sflag:s7] =	ssyncadd.s32 $0xFFFFE000  }
0xc0: {  	_ =	sfence.sel $0x180000  }
0xc1: {  	[bflag:$0x0] =	sbarrier.arrive $0xFFFF  }
0xc2: {  	p0 =	sne.s32 s0, $0x0;
	_ =	strace $0x90000047  }
0xc3: {  	s0 =	sadd.s32 @!p0 $0x100000, s1;
	[bflag:$0x2] =	sbarrier.arrive $0xFFFF  }
0xc4: {  	[sflag:s0] =	ssyncadd.tile.s32 @!p0 $0x1;
	_ =	shalt  }
.Lfunc_end2:
_tile_overlayer_lowered:
.L_overlay_start_2:
0xc5: {  	(tag) =	ssettag $0x2  }
0xc6: {  	s0 =	rddreg [dreg:$0x0];
	s2 =	stileid.u32  }
0xc7: {  	s1 =	rddreg [dreg:$0x1];
	p0 =	sne.s32 s2, $0x0  }
0xc8: {  	s3 =	rddreg [dreg:$0x2];
	[bflag:$0x3] =	sbarrier.arrive $0xFFFF;
	s2 =	simm.s32 @!p0 $0x1C03  }
0xc9: {  	[timem:s3], [sflag:s2] =	dma.local @!p0 [hbm:s0], s1  }
0xca: {  	s0 =	simm.s32 @!p0 $0x3  }
0xcb: {  	_ =	swait.ge @!p0 [sflag:s0], s1  }
0xcc: {  	s1 =	ssub.s32 @!p0 $0x0, s1;
	[sflag:s0] =	ssyncset.done @!p0 $0x0  }
0xcd: {  	[sflag:s0] =	ssyncadd.s32 @!p0 s1  }
0xce: {  	[bflag:$0x3] =	sbarrier.arrive $0xFFFF  }
0xcf: {  	_ =	shalt  }

</sc_bundles>
